<compile_context>
chip_gen: v7x
topology: tpu7x:2x2x1
jax: 0.10.2.dev20260603
libtpu: 0.0.44.dev20260713+nightly
codegen_flags: <defaults>
</compile_context>

<pallas_src>
import functools

import jax
import jax.numpy as jnp
from jax import lax
from jax.experimental import pallas as pl
from jax.experimental.pallas import tpu as pltpu
from jax.experimental.pallas import tpu_sc as plsc

_D = 128
_B = 16384

_info = plsc.get_sparse_core_info()
_NC = _info.num_cores
_NS = _info.num_subcores
_NW = _NC * _NS
_BPW = _B // _NW
_CH = 64
_NCH = _BPW // _CH
_NB = 8

_mesh = plsc.VectorSubcoreMesh(core_axis_name="c", subcore_axis_name="s")


@functools.partial(
    pl.kernel,
    mesh=_mesh,
    out_type=(
        jax.ShapeDtypeStruct((_B, _D), jnp.float32),
        jax.ShapeDtypeStruct((_B, _D), jnp.float32),
    ),
    scratch_types=(
        [pltpu.VMEM((_NCH, _CH), jnp.int32),
         pltpu.VMEM((_NB, _CH, _D), jnp.float32)]
        + [pltpu.SemaphoreType.DMA] * (2 * _NB)
    ),
)
def _dual_gather(ids_hbm, t1_hbm, t2_hbm, out1_hbm, out2_hbm,
                 idx_v, bufs, *sems):
    gsems = sems[:_NB]
    wsems = sems[_NB:]
    wid = lax.axis_index("s") * _NC + lax.axis_index("c")
    base = wid * _BPW
    pltpu.sync_copy(ids_hbm.at[pl.ds(wid * _NCH, _NCH)], idx_v)

    tables = (t1_hbm, t2_hbm)
    outs = (out1_hbm, out2_hbm)
    items = [(t, j) for t in (0, 1) for j in range(_NCH)]
    n = len(items)
    depth = _NB - 1

    gh = [None] * n
    wh = [None] * n
    for i in range(depth):
        t, j = items[i]
        gh[i] = pltpu.async_copy(
            tables[t].at[idx_v.at[j]], bufs.at[i % _NB], gsems[i % _NB])
    for i in range(n):
        t, j = items[i]
        b = i % _NB
        gh[i].wait()
        wh[i] = pltpu.async_copy(
            bufs.at[b], outs[t].at[pl.ds(base + j * _CH, _CH)], wsems[b])
        if i + depth < n:
            tn, jn = items[i + depth]
            bn = (i + depth) % _NB
            if i > 0:
                wh[i - 1].wait()
            gh[i + depth] = pltpu.async_copy(
                tables[tn].at[idx_v.at[jn]], bufs.at[bn], gsems[bn])
    for i in range(max(0, n - _NB), n):
        wh[i].wait()


def kernel(instance_ids, table_instance, table_backgrounds):
    ids2d = instance_ids.astype(jnp.int32).reshape(_B // _CH, _CH)
    out1, out2 = _dual_gather(ids2d, table_instance, table_backgrounds)
    return (out1, out2)

# --- scband reference (transcript-rebuilt; emitter-appended) ---
"""Pipeline reference for scband-code-library-bckg-obj-11269994185187 (READ-ONLY COPY).

The authoritative reference and input builder live on the scoring server;
editing this copy changes nothing except your own understanding.
"""

import jax, jax.numpy as jnp
import numpy as np

N_MAX_OBJS = 100000
CODE_LEN = 128
BCKG_LEN = 128
BATCH = 16384

def setup_inputs(seed: int = 0) -> dict:
    key = jax.random.key(seed)
    k_idx, k_t1, k_t2 = jax.random.split(key, 3)
    instance_ids = jax.random.randint(k_idx, (BATCH,), 0, N_MAX_OBJS, dtype=jnp.int64 if jax.config.jax_enable_x64 else jnp.int32)
    # nn.Embedding default init: N(0, 1)
    table_instance = jax.random.normal(k_t1, (N_MAX_OBJS, CODE_LEN), dtype=jnp.float32)
    table_backgrounds = jax.random.normal(k_t2, (N_MAX_OBJS, BCKG_LEN), dtype=jnp.float32)
    return {"instance_ids": instance_ids, "table_instance": table_instance, "table_backgrounds": table_backgrounds}

def reference(instance_ids, table_instance, table_backgrounds):
    # inputs['instance_ids'].squeeze() -> squeeze is a no-op on a 1D id vector
    ids = jnp.squeeze(instance_ids)
    embedding_instance = jnp.take(table_instance, ids, axis=0)
    embedding_backgrounds = jnp.take(table_backgrounds, ids, axis=0)
    # ret_dict with two entries -> returned as a tuple (embedding_instance, embedding_backgrounds)
    return (embedding_instance, embedding_backgrounds)

if __name__ == "__main__":
    import jax
    _d = setup_inputs()
    print(jax.jit(kernel)(*tuple(_d.values())))

</pallas_src>

<mosaic_0001>
#map = affine_map<(d0, d1) -> (0, 0)>
module attributes {stable_mosaic.version = 14 : i64} {
  func.func @_dual_gather(%arg0: i32, %arg1: i32, %arg2: memref<256x64xi32, #tpu.memory_space<hbm>>, %arg3: memref<100000x128xf32, #tpu.memory_space<hbm>>, %arg4: memref<100000x128xf32, #tpu.memory_space<hbm>>, %arg5: memref<16384x128xf32, #tpu.memory_space<hbm>>, %arg6: memref<16384x128xf32, #tpu.memory_space<hbm>>, %arg7: memref<8x64xi32, #tpu.memory_space<vmem>>, %arg8: memref<8x64x128xf32, #tpu.memory_space<vmem>>, %arg9: memref<!tpu.dma_semaphore, #tpu.memory_space<semaphore_mem>>, %arg10: memref<!tpu.dma_semaphore, #tpu.memory_space<semaphore_mem>>, %arg11: memref<!tpu.dma_semaphore, #tpu.memory_space<semaphore_mem>>, %arg12: memref<!tpu.dma_semaphore, #tpu.memory_space<semaphore_mem>>, %arg13: memref<!tpu.dma_semaphore, #tpu.memory_space<semaphore_mem>>, %arg14: memref<!tpu.dma_semaphore, #tpu.memory_space<semaphore_mem>>, %arg15: memref<!tpu.dma_semaphore, #tpu.memory_space<semaphore_mem>>, %arg16: memref<!tpu.dma_semaphore, #tpu.memory_space<semaphore_mem>>, %arg17: memref<!tpu.dma_semaphore, #tpu.memory_space<semaphore_mem>>, %arg18: memref<!tpu.dma_semaphore, #tpu.memory_space<semaphore_mem>>, %arg19: memref<!tpu.dma_semaphore, #tpu.memory_space<semaphore_mem>>, %arg20: memref<!tpu.dma_semaphore, #tpu.memory_space<semaphore_mem>>, %arg21: memref<!tpu.dma_semaphore, #tpu.memory_space<semaphore_mem>>, %arg22: memref<!tpu.dma_semaphore, #tpu.memory_space<semaphore_mem>>, %arg23: memref<!tpu.dma_semaphore, #tpu.memory_space<semaphore_mem>>, %arg24: memref<!tpu.dma_semaphore, #tpu.memory_space<semaphore_mem>>) attributes {dimension_semantics = [#tpu.dimension_semantics<core_parallel>, #tpu.dimension_semantics<subcore_parallel>], iteration_bounds = array<i64: 2, 16>, scalar_prefetch = 0 : i64, scratch_operands = 18 : i64, tpu.core_type = #tpu.core_type<sc_vector_subcore>, window_params = [{transform_indices = #map}, {transform_indices = #map}, {transform_indices = #map}, {transform_indices = #map}, {transform_indices = #map}]} {
    %mul3A = arith.constant 2 : i32
    %mul3A_0 = arith.muli %arg1, %mul3A : i32
    %add3A = arith.addi %mul3A_0, %arg0 : i32
    %mul3A_1 = arith.constant 512 : i32
    %mul3A_2 = arith.muli %add3A, %mul3A_1 : i32
    %mul3A_3 = arith.constant 8 : i32
    %mul3A_4 = arith.muli %add3A, %mul3A_3 : i32
    "tpu.region"() ({
      %run_scoped3A = tpu.sem_alloc : memref<!tpu.dma_semaphore, #tpu.memory_space<semaphore_mem>>
      %dma_start3A_835 = arith.constant 0 : i32
      %dma_start3A_836 = tpu.memref_slice %arg2[%mul3A_4, %dma_start3A_835] : memref<256x64xi32, #tpu.memory_space<hbm>> -> memref<8x64xi32, #tpu.memory_space<hbm>>
      %dma_start3A_837 = arith.constant 0 : i32
      %dma_start3A_838 = tpu.memref_slice %arg2[%mul3A_4, %dma_start3A_837] : memref<256x64xi32, #tpu.memory_space<hbm>> -> memref<8x64xi32, #tpu.memory_space<hbm>>
      tpu.enqueue_dma source(%dma_start3A_838 : memref<8x64xi32, #tpu.memory_space<hbm>>) target(%arg7 : memref<8x64xi32, #tpu.memory_space<vmem>>) target_semaphore(%run_scoped3A : memref<!tpu.dma_semaphore, #tpu.memory_space<semaphore_mem>>)
      %dma_wait3A_839 = arith.constant 0 : i32
      %dma_wait3A_840 = tpu.memref_slice %arg2[%mul3A_4, %dma_wait3A_839] : memref<256x64xi32, #tpu.memory_space<hbm>> -> memref<8x64xi32, #tpu.memory_space<hbm>>
      %dma_wait3A_841 = arith.constant 0 : i32
      %dma_wait3A_842 = tpu.memref_slice %arg2[%mul3A_4, %dma_wait3A_841] : memref<256x64xi32, #tpu.memory_space<hbm>> -> memref<8x64xi32, #tpu.memory_space<hbm>>
      tpu.wait_dma2 semaphore(%run_scoped3A : memref<!tpu.dma_semaphore, #tpu.memory_space<semaphore_mem>>) src(%dma_wait3A_842 : memref<8x64xi32, #tpu.memory_space<hbm>>) dst(%arg7 : memref<8x64xi32, #tpu.memory_space<vmem>>)
      tpu.yield
    }) : () -> ()
    %dma_start3A = arith.constant 0 : i32
    %dma_start3A_5 = arith.constant 0 : i32
    %dma_start3A_6 = arith.constant 0 : i32
    %dma_start3A_7 = arith.constant 0 : i32
    %dma_start3A_8 = tpu.memref_slice %arg8[%dma_start3A_5, %dma_start3A_6, %dma_start3A_7] : memref<8x64x128xf32, #tpu.memory_space<vmem>> -> memref<1x64x128xf32, #tpu.memory_space<vmem>>
    %dma_start3A_9 = tpu.memref_squeeze %dma_start3A_8 : memref<1x64x128xf32, #tpu.memory_space<vmem>> -> memref<64x128xf32, #tpu.memory_space<vmem>>
    %dma_start3A_10 = arith.constant 0 : i32
    %dma_start3A_11 = tpu.memref_slice %arg7[%dma_start3A, %dma_start3A_10] : memref<8x64xi32, #tpu.memory_space<vmem>> -> memref<1x64xi32, #tpu.memory_space<vmem>>
    %dma_start3A_12 = tpu.memref_squeeze %dma_start3A_11 : memref<1x64xi32, #tpu.memory_space<vmem>> -> memref<64xi32, #tpu.memory_space<vmem>>
    %dma_start3A_13 = arith.constant 0 : i32
    %dma_start3A_14 = arith.constant 0 : i32
    %dma_start3A_15 = tpu.memref_slice %arg3[%dma_start3A_13, %dma_start3A_14] : memref<100000x128xf32, #tpu.memory_space<hbm>> -> memref<100000x128xf32, #tpu.memory_space<hbm>>
    tpu.enqueue_indirect_dma source(%dma_start3A_15 : memref<100000x128xf32, #tpu.memory_space<hbm>>) target(%dma_start3A_9 : memref<64x128xf32, #tpu.memory_space<vmem>>) offsets(%dma_start3A_12 : memref<64xi32, #tpu.memory_space<vmem>>) semaphore(%arg9 : memref<!tpu.dma_semaphore, #tpu.memory_space<semaphore_mem>>)
    %dma_start3A_16 = arith.constant 1 : i32
    %dma_start3A_17 = arith.constant 1 : i32
    %dma_start3A_18 = arith.constant 0 : i32
    %dma_start3A_19 = arith.constant 0 : i32
    %dma_start3A_20 = tpu.memref_slice %arg8[%dma_start3A_17, %dma_start3A_18, %dma_start3A_19] : memref<8x64x128xf32, #tpu.memory_space<vmem>> -> memref<1x64x128xf32, #tpu.memory_space<vmem>>
    %dma_start3A_21 = tpu.memref_squeeze %dma_start3A_20 : memref<1x64x128xf32, #tpu.memory_space<vmem>> -> memref<64x128xf32, #tpu.memory_space<vmem>>
    %dma_start3A_22 = arith.constant 0 : i32
    %dma_start3A_23 = tpu.memref_slice %arg7[%dma_start3A_16, %dma_start3A_22] : memref<8x64xi32, #tpu.memory_space<vmem>> -> memref<1x64xi32, #tpu.memory_space<vmem>>
    %dma_start3A_24 = tpu.memref_squeeze %dma_start3A_23 : memref<1x64xi32, #tpu.memory_space<vmem>> -> memref<64xi32, #tpu.memory_space<vmem>>
    %dma_start3A_25 = arith.constant 0 : i32
    %dma_start3A_26 = arith.constant 0 : i32
    %dma_start3A_27 = tpu.memref_slice %arg3[%dma_start3A_25, %dma_start3A_26] : memref<100000x128xf32, #tpu.memory_space<hbm>> -> memref<100000x128xf32, #tpu.memory_space<hbm>>
    tpu.enqueue_indirect_dma source(%dma_start3A_27 : memref<100000x128xf32, #tpu.memory_space<hbm>>) target(%dma_start3A_21 : memref<64x128xf32, #tpu.memory_space<vmem>>) offsets(%dma_start3A_24 : memref<64xi32, #tpu.memory_space<vmem>>) semaphore(%arg10 : memref<!tpu.dma_semaphore, #tpu.memory_space<semaphore_mem>>)
    %dma_start3A_28 = arith.constant 2 : i32
    %dma_start3A_29 = arith.constant 2 : i32
    %dma_start3A_30 = arith.constant 0 : i32
    %dma_start3A_31 = arith.constant 0 : i32
    %dma_start3A_32 = tpu.memref_slice %arg8[%dma_start3A_29, %dma_start3A_30, %dma_start3A_31] : memref<8x64x128xf32, #tpu.memory_space<vmem>> -> memref<1x64x128xf32, #tpu.memory_space<vmem>>
    %dma_start3A_33 = tpu.memref_squeeze %dma_start3A_32 : memref<1x64x128xf32, #tpu.memory_space<vmem>> -> memref<64x128xf32, #tpu.memory_space<vmem>>
    %dma_start3A_34 = arith.constant 0 : i32
    %dma_start3A_35 = tpu.memref_slice %arg7[%dma_start3A_28, %dma_start3A_34] : memref<8x64xi32, #tpu.memory_space<vmem>> -> memref<1x64xi32, #tpu.memory_space<vmem>>
    %dma_start3A_36 = tpu.memref_squeeze %dma_start3A_35 : memref<1x64xi32, #tpu.memory_space<vmem>> -> memref<64xi32, #tpu.memory_space<vmem>>
    %dma_start3A_37 = arith.constant 0 : i32
    %dma_start3A_38 = arith.constant 0 : i32
    %dma_start3A_39 = tpu.memref_slice %arg3[%dma_start3A_37, %dma_start3A_38] : memref<100000x128xf32, #tpu.memory_space<hbm>> -> memref<100000x128xf32, #tpu.memory_space<hbm>>
    tpu.enqueue_indirect_dma source(%dma_start3A_39 : memref<100000x128xf32, #tpu.memory_space<hbm>>) target(%dma_start3A_33 : memref<64x128xf32, #tpu.memory_space<vmem>>) offsets(%dma_start3A_36 : memref<64xi32, #tpu.memory_space<vmem>>) semaphore(%arg11 : memref<!tpu.dma_semaphore, #tpu.memory_space<semaphore_mem>>)
    %dma_start3A_40 = arith.constant 3 : i32
    %dma_start3A_41 = arith.constant 3 : i32
    %dma_start3A_42 = arith.constant 0 : i32
    %dma_start3A_43 = arith.constant 0 : i32
    %dma_start3A_44 = tpu.memref_slice %arg8[%dma_start3A_41, %dma_start3A_42, %dma_start3A_43] : memref<8x64x128xf32, #tpu.memory_space<vmem>> -> memref<1x64x128xf32, #tpu.memory_space<vmem>>
    %dma_start3A_45 = tpu.memref_squeeze %dma_start3A_44 : memref<1x64x128xf32, #tpu.memory_space<vmem>> -> memref<64x128xf32, #tpu.memory_space<vmem>>
    %dma_start3A_46 = arith.constant 0 : i32
    %dma_start3A_47 = tpu.memref_slice %arg7[%dma_start3A_40, %dma_start3A_46] : memref<8x64xi32, #tpu.memory_space<vmem>> -> memref<1x64xi32, #tpu.memory_space<vmem>>
    %dma_start3A_48 = tpu.memref_squeeze %dma_start3A_47 : memref<1x64xi32, #tpu.memory_space<vmem>> -> memref<64xi32, #tpu.memory_space<vmem>>
    %dma_start3A_49 = arith.constant 0 : i32
    %dma_start3A_50 = arith.constant 0 : i32
    %dma_start3A_51 = tpu.memref_slice %arg3[%dma_start3A_49, %dma_start3A_50] : memref<100000x128xf32, #tpu.memory_space<hbm>> -> memref<100000x128xf32, #tpu.memory_space<hbm>>
    tpu.enqueue_indirect_dma source(%dma_start3A_51 : memref<100000x128xf32, #tpu.memory_space<hbm>>) target(%dma_start3A_45 : memref<64x128xf32, #tpu.memory_space<vmem>>) offsets(%dma_start3A_48 : memref<64xi32, #tpu.memory_space<vmem>>) semaphore(%arg12 : memref<!tpu.dma_semaphore, #tpu.memory_space<semaphore_mem>>)
    %dma_start3A_52 = arith.constant 4 : i32
    %dma_start3A_53 = arith.constant 4 : i32
    %dma_start3A_54 = arith.constant 0 : i32
    %dma_start3A_55 = arith.constant 0 : i32
    %dma_start3A_56 = tpu.memref_slice %arg8[%dma_start3A_53, %dma_start3A_54, %dma_start3A_55] : memref<8x64x128xf32, #tpu.memory_space<vmem>> -> memref<1x64x128xf32, #tpu.memory_space<vmem>>
    %dma_start3A_57 = tpu.memref_squeeze %dma_start3A_56 : memref<1x64x128xf32, #tpu.memory_space<vmem>> -> memref<64x128xf32, #tpu.memory_space<vmem>>
    %dma_start3A_58 = arith.constant 0 : i32
    %dma_start3A_59 = tpu.memref_slice %arg7[%dma_start3A_52, %dma_start3A_58] : memref<8x64xi32, #tpu.memory_space<vmem>> -> memref<1x64xi32, #tpu.memory_space<vmem>>
    %dma_start3A_60 = tpu.memref_squeeze %dma_start3A_59 : memref<1x64xi32, #tpu.memory_space<vmem>> -> memref<64xi32, #tpu.memory_space<vmem>>
    %dma_start3A_61 = arith.constant 0 : i32
    %dma_start3A_62 = arith.constant 0 : i32
    %dma_start3A_63 = tpu.memref_slice %arg3[%dma_start3A_61, %dma_start3A_62] : memref<100000x128xf32, #tpu.memory_space<hbm>> -> memref<100000x128xf32, #tpu.memory_space<hbm>>
    tpu.enqueue_indirect_dma source(%dma_start3A_63 : memref<100000x128xf32, #tpu.memory_space<hbm>>) target(%dma_start3A_57 : memref<64x128xf32, #tpu.memory_space<vmem>>) offsets(%dma_start3A_60 : memref<64xi32, #tpu.memory_space<vmem>>) semaphore(%arg13 : memref<!tpu.dma_semaphore, #tpu.memory_space<semaphore_mem>>)
    %dma_start3A_64 = arith.constant 5 : i32
    %dma_start3A_65 = arith.constant 5 : i32
    %dma_start3A_66 = arith.constant 0 : i32
    %dma_start3A_67 = arith.constant 0 : i32
    %dma_start3A_68 = tpu.memref_slice %arg8[%dma_start3A_65, %dma_start3A_66, %dma_start3A_67] : memref<8x64x128xf32, #tpu.memory_space<vmem>> -> memref<1x64x128xf32, #tpu.memory_space<vmem>>
    %dma_start3A_69 = tpu.memref_squeeze %dma_start3A_68 : memref<1x64x128xf32, #tpu.memory_space<vmem>> -> memref<64x128xf32, #tpu.memory_space<vmem>>
    %dma_start3A_70 = arith.constant 0 : i32
    %dma_start3A_71 = tpu.memref_slice %arg7[%dma_start3A_64, %dma_start3A_70] : memref<8x64xi32, #tpu.memory_space<vmem>> -> memref<1x64xi32, #tpu.memory_space<vmem>>
    %dma_start3A_72 = tpu.memref_squeeze %dma_start3A_71 : memref<1x64xi32, #tpu.memory_space<vmem>> -> memref<64xi32, #tpu.memory_space<vmem>>
    %dma_start3A_73 = arith.constant 0 : i32
    %dma_start3A_74 = arith.constant 0 : i32
    %dma_start3A_75 = tpu.memref_slice %arg3[%dma_start3A_73, %dma_start3A_74] : memref<100000x128xf32, #tpu.memory_space<hbm>> -> memref<100000x128xf32, #tpu.memory_space<hbm>>
    tpu.enqueue_indirect_dma source(%dma_start3A_75 : memref<100000x128xf32, #tpu.memory_space<hbm>>) target(%dma_start3A_69 : memref<64x128xf32, #tpu.memory_space<vmem>>) offsets(%dma_start3A_72 : memref<64xi32, #tpu.memory_space<vmem>>) semaphore(%arg14 : memref<!tpu.dma_semaphore, #tpu.memory_space<semaphore_mem>>)
    %dma_start3A_76 = arith.constant 6 : i32
    %dma_start3A_77 = arith.constant 6 : i32
    %dma_start3A_78 = arith.constant 0 : i32
    %dma_start3A_79 = arith.constant 0 : i32
    %dma_start3A_80 = tpu.memref_slice %arg8[%dma_start3A_77, %dma_start3A_78, %dma_start3A_79] : memref<8x64x128xf32, #tpu.memory_space<vmem>> -> memref<1x64x128xf32, #tpu.memory_space<vmem>>
    %dma_start3A_81 = tpu.memref_squeeze %dma_start3A_80 : memref<1x64x128xf32, #tpu.memory_space<vmem>> -> memref<64x128xf32, #tpu.memory_space<vmem>>
    %dma_start3A_82 = arith.constant 0 : i32
    %dma_start3A_83 = tpu.memref_slice %arg7[%dma_start3A_76, %dma_start3A_82] : memref<8x64xi32, #tpu.memory_space<vmem>> -> memref<1x64xi32, #tpu.memory_space<vmem>>
    %dma_start3A_84 = tpu.memref_squeeze %dma_start3A_83 : memref<1x64xi32, #tpu.memory_space<vmem>> -> memref<64xi32, #tpu.memory_space<vmem>>
    %dma_start3A_85 = arith.constant 0 : i32
    %dma_start3A_86 = arith.constant 0 : i32
    %dma_start3A_87 = tpu.memref_slice %arg3[%dma_start3A_85, %dma_start3A_86] : memref<100000x128xf32, #tpu.memory_space<hbm>> -> memref<100000x128xf32, #tpu.memory_space<hbm>>
    tpu.enqueue_indirect_dma source(%dma_start3A_87 : memref<100000x128xf32, #tpu.memory_space<hbm>>) target(%dma_start3A_81 : memref<64x128xf32, #tpu.memory_space<vmem>>) offsets(%dma_start3A_84 : memref<64xi32, #tpu.memory_space<vmem>>) semaphore(%arg15 : memref<!tpu.dma_semaphore, #tpu.memory_space<semaphore_mem>>)
    %dma_wait3A = arith.constant 0 : i32
    %dma_wait3A_88 = arith.constant 0 : i32
    %dma_wait3A_89 = arith.constant 0 : i32
    %dma_wait3A_90 = arith.constant 0 : i32
    %dma_wait3A_91 = tpu.memref_slice %arg8[%dma_wait3A_88, %dma_wait3A_89, %dma_wait3A_90] : memref<8x64x128xf32, #tpu.memory_space<vmem>> -> memref<1x64x128xf32, #tpu.memory_space<vmem>>
    %dma_wait3A_92 = tpu.memref_squeeze %dma_wait3A_91 : memref<1x64x128xf32, #tpu.memory_space<vmem>> -> memref<64x128xf32, #tpu.memory_space<vmem>>
    %dma_wait3A_93 = arith.constant 0 : i32
    %dma_wait3A_94 = tpu.memref_slice %arg7[%dma_wait3A, %dma_wait3A_93] : memref<8x64xi32, #tpu.memory_space<vmem>> -> memref<1x64xi32, #tpu.memory_space<vmem>>
    %dma_wait3A_95 = tpu.memref_squeeze %dma_wait3A_94 : memref<1x64xi32, #tpu.memory_space<vmem>> -> memref<64xi32, #tpu.memory_space<vmem>>
    %dma_wait3A_96 = arith.constant 0 : i32
    %dma_wait3A_97 = arith.constant 0 : i32
    %dma_wait3A_98 = tpu.memref_slice %arg3[%dma_wait3A_96, %dma_wait3A_97] : memref<100000x128xf32, #tpu.memory_space<hbm>> -> memref<100000x128xf32, #tpu.memory_space<hbm>>
    tpu.wait_indirect_dma semaphore(%arg9 : memref<!tpu.dma_semaphore, #tpu.memory_space<semaphore_mem>>) src(%dma_wait3A_98 : memref<100000x128xf32, #tpu.memory_space<hbm>>) dst(%dma_wait3A_92 : memref<64x128xf32, #tpu.memory_space<vmem>>)
    %add3A_99 = arith.constant 0 : i32
    %add3A_100 = arith.addi %mul3A_2, %add3A_99 : i32
    %dma_start3A_101 = arith.constant 0 : i32
    %dma_start3A_102 = arith.constant 0 : i32
    %dma_start3A_103 = arith.constant 0 : i32
    %dma_start3A_104 = tpu.memref_slice %arg8[%dma_start3A_101, %dma_start3A_102, %dma_start3A_103] : memref<8x64x128xf32, #tpu.memory_space<vmem>> -> memref<1x64x128xf32, #tpu.memory_space<vmem>>
    %dma_start3A_105 = tpu.memref_squeeze %dma_start3A_104 : memref<1x64x128xf32, #tpu.memory_space<vmem>> -> memref<64x128xf32, #tpu.memory_space<vmem>>
    %dma_start3A_106 = arith.constant 0 : i32
    %dma_start3A_107 = tpu.memref_slice %arg5[%add3A_100, %dma_start3A_106] : memref<16384x128xf32, #tpu.memory_space<hbm>> -> memref<64x128xf32, #tpu.memory_space<hbm>>
    %dma_start3A_108 = arith.constant 0 : i32
    %dma_start3A_109 = tpu.memref_slice %arg5[%add3A_100, %dma_start3A_108] : memref<16384x128xf32, #tpu.memory_space<hbm>> -> memref<64x128xf32, #tpu.memory_space<hbm>>
    %dma_start3A_110 = arith.constant 0 : i32
    %dma_start3A_111 = arith.constant 0 : i32
    %dma_start3A_112 = tpu.memref_slice %arg8[%dma_start3A_101, %dma_start3A_110, %dma_start3A_111] : memref<8x64x128xf32, #tpu.memory_space<vmem>> -> memref<1x64x128xf32, #tpu.memory_space<vmem>>
    %dma_start3A_113 = tpu.memref_squeeze %dma_start3A_112 : memref<1x64x128xf32, #tpu.memory_space<vmem>> -> memref<64x128xf32, #tpu.memory_space<vmem>>
    tpu.enqueue_dma source(%dma_start3A_113 : memref<64x128xf32, #tpu.memory_space<vmem>>) target(%dma_start3A_109 : memref<64x128xf32, #tpu.memory_space<hbm>>) target_semaphore(%arg17 : memref<!tpu.dma_semaphore, #tpu.memory_space<semaphore_mem>>)
    %dma_start3A_114 = arith.constant 7 : i32
    %dma_start3A_115 = arith.constant 7 : i32
    %dma_start3A_116 = arith.constant 0 : i32
    %dma_start3A_117 = arith.constant 0 : i32
    %dma_start3A_118 = tpu.memref_slice %arg8[%dma_start3A_115, %dma_start3A_116, %dma_start3A_117] : memref<8x64x128xf32, #tpu.memory_space<vmem>> -> memref<1x64x128xf32, #tpu.memory_space<vmem>>
    %dma_start3A_119 = tpu.memref_squeeze %dma_start3A_118 : memref<1x64x128xf32, #tpu.memory_space<vmem>> -> memref<64x128xf32, #tpu.memory_space<vmem>>
    %dma_start3A_120 = arith.constant 0 : i32
    %dma_start3A_121 = tpu.memref_slice %arg7[%dma_start3A_114, %dma_start3A_120] : memref<8x64xi32, #tpu.memory_space<vmem>> -> memref<1x64xi32, #tpu.memory_space<vmem>>
    %dma_start3A_122 = tpu.memref_squeeze %dma_start3A_121 : memref<1x64xi32, #tpu.memory_space<vmem>> -> memref<64xi32, #tpu.memory_space<vmem>>
    %dma_start3A_123 = arith.constant 0 : i32
    %dma_start3A_124 = arith.constant 0 : i32
    %dma_start3A_125 = tpu.memref_slice %arg3[%dma_start3A_123, %dma_start3A_124] : memref<100000x128xf32, #tpu.memory_space<hbm>> -> memref<100000x128xf32, #tpu.memory_space<hbm>>
    tpu.enqueue_indirect_dma source(%dma_start3A_125 : memref<100000x128xf32, #tpu.memory_space<hbm>>) target(%dma_start3A_119 : memref<64x128xf32, #tpu.memory_space<vmem>>) offsets(%dma_start3A_122 : memref<64xi32, #tpu.memory_space<vmem>>) semaphore(%arg16 : memref<!tpu.dma_semaphore, #tpu.memory_space<semaphore_mem>>)
    %dma_wait3A_126 = arith.constant 1 : i32
    %dma_wait3A_127 = arith.constant 1 : i32
    %dma_wait3A_128 = arith.constant 0 : i32
    %dma_wait3A_129 = arith.constant 0 : i32
    %dma_wait3A_130 = tpu.memref_slice %arg8[%dma_wait3A_127, %dma_wait3A_128, %dma_wait3A_129] : memref<8x64x128xf32, #tpu.memory_space<vmem>> -> memref<1x64x128xf32, #tpu.memory_space<vmem>>
    %dma_wait3A_131 = tpu.memref_squeeze %dma_wait3A_130 : memref<1x64x128xf32, #tpu.memory_space<vmem>> -> memref<64x128xf32, #tpu.memory_space<vmem>>
    %dma_wait3A_132 = arith.constant 0 : i32
    %dma_wait3A_133 = tpu.memref_slice %arg7[%dma_wait3A_126, %dma_wait3A_132] : memref<8x64xi32, #tpu.memory_space<vmem>> -> memref<1x64xi32, #tpu.memory_space<vmem>>
    %dma_wait3A_134 = tpu.memref_squeeze %dma_wait3A_133 : memref<1x64xi32, #tpu.memory_space<vmem>> -> memref<64xi32, #tpu.memory_space<vmem>>
    %dma_wait3A_135 = arith.constant 0 : i32
    %dma_wait3A_136 = arith.constant 0 : i32
    %dma_wait3A_137 = tpu.memref_slice %arg3[%dma_wait3A_135, %dma_wait3A_136] : memref<100000x128xf32, #tpu.memory_space<hbm>> -> memref<100000x128xf32, #tpu.memory_space<hbm>>
    tpu.wait_indirect_dma semaphore(%arg10 : memref<!tpu.dma_semaphore, #tpu.memory_space<semaphore_mem>>) src(%dma_wait3A_137 : memref<100000x128xf32, #tpu.memory_space<hbm>>) dst(%dma_wait3A_131 : memref<64x128xf32, #tpu.memory_space<vmem>>)
    %add3A_138 = arith.constant 64 : i32
    %add3A_139 = arith.addi %mul3A_2, %add3A_138 : i32
    %dma_start3A_140 = arith.constant 1 : i32
    %dma_start3A_141 = arith.constant 0 : i32
    %dma_start3A_142 = arith.constant 0 : i32
    %dma_start3A_143 = tpu.memref_slice %arg8[%dma_start3A_140, %dma_start3A_141, %dma_start3A_142] : memref<8x64x128xf32, #tpu.memory_space<vmem>> -> memref<1x64x128xf32, #tpu.memory_space<vmem>>
    %dma_start3A_144 = tpu.memref_squeeze %dma_start3A_143 : memref<1x64x128xf32, #tpu.memory_space<vmem>> -> memref<64x128xf32, #tpu.memory_space<vmem>>
    %dma_start3A_145 = arith.constant 0 : i32
    %dma_start3A_146 = tpu.memref_slice %arg5[%add3A_139, %dma_start3A_145] : memref<16384x128xf32, #tpu.memory_space<hbm>> -> memref<64x128xf32, #tpu.memory_space<hbm>>
    %dma_start3A_147 = arith.constant 0 : i32
    %dma_start3A_148 = tpu.memref_slice %arg5[%add3A_139, %dma_start3A_147] : memref<16384x128xf32, #tpu.memory_space<hbm>> -> memref<64x128xf32, #tpu.memory_space<hbm>>
    %dma_start3A_149 = arith.constant 0 : i32
    %dma_start3A_150 = arith.constant 0 : i32
    %dma_start3A_151 = tpu.memref_slice %arg8[%dma_start3A_140, %dma_start3A_149, %dma_start3A_150] : memref<8x64x128xf32, #tpu.memory_space<vmem>> -> memref<1x64x128xf32, #tpu.memory_space<vmem>>
    %dma_start3A_152 = tpu.memref_squeeze %dma_start3A_151 : memref<1x64x128xf32, #tpu.memory_space<vmem>> -> memref<64x128xf32, #tpu.memory_space<vmem>>
    tpu.enqueue_dma source(%dma_start3A_152 : memref<64x128xf32, #tpu.memory_space<vmem>>) target(%dma_start3A_148 : memref<64x128xf32, #tpu.memory_space<hbm>>) target_semaphore(%arg18 : memref<!tpu.dma_semaphore, #tpu.memory_space<semaphore_mem>>)
    %dma_wait3A_153 = arith.constant 0 : i32
    %dma_wait3A_154 = arith.constant 0 : i32
    %dma_wait3A_155 = arith.constant 0 : i32
    %dma_wait3A_156 = tpu.memref_slice %arg8[%dma_wait3A_153, %dma_wait3A_154, %dma_wait3A_155] : memref<8x64x128xf32, #tpu.memory_space<vmem>> -> memref<1x64x128xf32, #tpu.memory_space<vmem>>
    %dma_wait3A_157 = tpu.memref_squeeze %dma_wait3A_156 : memref<1x64x128xf32, #tpu.memory_space<vmem>> -> memref<64x128xf32, #tpu.memory_space<vmem>>
    %dma_wait3A_158 = arith.constant 0 : i32
    %dma_wait3A_159 = tpu.memref_slice %arg5[%add3A_100, %dma_wait3A_158] : memref<16384x128xf32, #tpu.memory_space<hbm>> -> memref<64x128xf32, #tpu.memory_space<hbm>>
    %dma_wait3A_160 = arith.constant 0 : i32
    %dma_wait3A_161 = tpu.memref_slice %arg5[%add3A_100, %dma_wait3A_160] : memref<16384x128xf32, #tpu.memory_space<hbm>> -> memref<64x128xf32, #tpu.memory_space<hbm>>
    %dma_wait3A_162 = arith.constant 0 : i32
    %dma_wait3A_163 = arith.constant 0 : i32
    %dma_wait3A_164 = tpu.memref_slice %arg8[%dma_wait3A_153, %dma_wait3A_162, %dma_wait3A_163] : memref<8x64x128xf32, #tpu.memory_space<vmem>> -> memref<1x64x128xf32, #tpu.memory_space<vmem>>
    %dma_wait3A_165 = tpu.memref_squeeze %dma_wait3A_164 : memref<1x64x128xf32, #tpu.memory_space<vmem>> -> memref<64x128xf32, #tpu.memory_space<vmem>>
    tpu.wait_dma2 semaphore(%arg17 : memref<!tpu.dma_semaphore, #tpu.memory_space<semaphore_mem>>) src(%dma_wait3A_165 : memref<64x128xf32, #tpu.memory_space<vmem>>) dst(%dma_wait3A_161 : memref<64x128xf32, #tpu.memory_space<hbm>>)
    %dma_start3A_166 = arith.constant 0 : i32
    %dma_start3A_167 = arith.constant 0 : i32
    %dma_start3A_168 = arith.constant 0 : i32
    %dma_start3A_169 = arith.constant 0 : i32
    %dma_start3A_170 = tpu.memref_slice %arg8[%dma_start3A_167, %dma_start3A_168, %dma_start3A_169] : memref<8x64x128xf32, #tpu.memory_space<vmem>> -> memref<1x64x128xf32, #tpu.memory_space<vmem>>
    %dma_start3A_171 = tpu.memref_squeeze %dma_start3A_170 : memref<1x64x128xf32, #tpu.memory_space<vmem>> -> memref<64x128xf32, #tpu.memory_space<vmem>>
    %dma_start3A_172 = arith.constant 0 : i32
    %dma_start3A_173 = tpu.memref_slice %arg7[%dma_start3A_166, %dma_start3A_172] : memref<8x64xi32, #tpu.memory_space<vmem>> -> memref<1x64xi32, #tpu.memory_space<vmem>>
    %dma_start3A_174 = tpu.memref_squeeze %dma_start3A_173 : memref<1x64xi32, #tpu.memory_space<vmem>> -> memref<64xi32, #tpu.memory_space<vmem>>
    %dma_start3A_175 = arith.constant 0 : i32
    %dma_start3A_176 = arith.constant 0 : i32
    %dma_start3A_177 = tpu.memref_slice %arg4[%dma_start3A_175, %dma_start3A_176] : memref<100000x128xf32, #tpu.memory_space<hbm>> -> memref<100000x128xf32, #tpu.memory_space<hbm>>
    tpu.enqueue_indirect_dma source(%dma_start3A_177 : memref<100000x128xf32, #tpu.memory_space<hbm>>) target(%dma_start3A_171 : memref<64x128xf32, #tpu.memory_space<vmem>>) offsets(%dma_start3A_174 : memref<64xi32, #tpu.memory_space<vmem>>) semaphore(%arg9 : memref<!tpu.dma_semaphore, #tpu.memory_space<semaphore_mem>>)
    %dma_wait3A_178 = arith.constant 2 : i32
    %dma_wait3A_179 = arith.constant 2 : i32
    %dma_wait3A_180 = arith.constant 0 : i32
    %dma_wait3A_181 = arith.constant 0 : i32
    %dma_wait3A_182 = tpu.memref_slice %arg8[%dma_wait3A_179, %dma_wait3A_180, %dma_wait3A_181] : memref<8x64x128xf32, #tpu.memory_space<vmem>> -> memref<1x64x128xf32, #tpu.memory_space<vmem>>
    %dma_wait3A_183 = tpu.memref_squeeze %dma_wait3A_182 : memref<1x64x128xf32, #tpu.memory_space<vmem>> -> memref<64x128xf32, #tpu.memory_space<vmem>>
    %dma_wait3A_184 = arith.constant 0 : i32
    %dma_wait3A_185 = tpu.memref_slice %arg7[%dma_wait3A_178, %dma_wait3A_184] : memref<8x64xi32, #tpu.memory_space<vmem>> -> memref<1x64xi32, #tpu.memory_space<vmem>>
    %dma_wait3A_186 = tpu.memref_squeeze %dma_wait3A_185 : memref<1x64xi32, #tpu.memory_space<vmem>> -> memref<64xi32, #tpu.memory_space<vmem>>
    %dma_wait3A_187 = arith.constant 0 : i32
    %dma_wait3A_188 = arith.constant 0 : i32
    %dma_wait3A_189 = tpu.memref_slice %arg3[%dma_wait3A_187, %dma_wait3A_188] : memref<100000x128xf32, #tpu.memory_space<hbm>> -> memref<100000x128xf32, #tpu.memory_space<hbm>>
    tpu.wait_indirect_dma semaphore(%arg11 : memref<!tpu.dma_semaphore, #tpu.memory_space<semaphore_mem>>) src(%dma_wait3A_189 : memref<100000x128xf32, #tpu.memory_space<hbm>>) dst(%dma_wait3A_183 : memref<64x128xf32, #tpu.memory_space<vmem>>)
    %add3A_190 = arith.constant 128 : i32
    %add3A_191 = arith.addi %mul3A_2, %add3A_190 : i32
    %dma_start3A_192 = arith.constant 2 : i32
    %dma_start3A_193 = arith.constant 0 : i32
    %dma_start3A_194 = arith.constant 0 : i32
    %dma_start3A_195 = tpu.memref_slice %arg8[%dma_start3A_192, %dma_start3A_193, %dma_start3A_194] : memref<8x64x128xf32, #tpu.memory_space<vmem>> -> memref<1x64x128xf32, #tpu.memory_space<vmem>>
    %dma_start3A_196 = tpu.memref_squeeze %dma_start3A_195 : memref<1x64x128xf32, #tpu.memory_space<vmem>> -> memref<64x128xf32, #tpu.memory_space<vmem>>
    %dma_start3A_197 = arith.constant 0 : i32
    %dma_start3A_198 = tpu.memref_slice %arg5[%add3A_191, %dma_start3A_197] : memref<16384x128xf32, #tpu.memory_space<hbm>> -> memref<64x128xf32, #tpu.memory_space<hbm>>
    %dma_start3A_199 = arith.constant 0 : i32
    %dma_start3A_200 = tpu.memref_slice %arg5[%add3A_191, %dma_start3A_199] : memref<16384x128xf32, #tpu.memory_space<hbm>> -> memref<64x128xf32, #tpu.memory_space<hbm>>
    %dma_start3A_201 = arith.constant 0 : i32
    %dma_start3A_202 = arith.constant 0 : i32
    %dma_start3A_203 = tpu.memref_slice %arg8[%dma_start3A_192, %dma_start3A_201, %dma_start3A_202] : memref<8x64x128xf32, #tpu.memory_space<vmem>> -> memref<1x64x128xf32, #tpu.memory_space<vmem>>
    %dma_start3A_204 = tpu.memref_squeeze %dma_start3A_203 : memref<1x64x128xf32, #tpu.memory_space<vmem>> -> memref<64x128xf32, #tpu.memory_space<vmem>>
    tpu.enqueue_dma source(%dma_start3A_204 : memref<64x128xf32, #tpu.memory_space<vmem>>) target(%dma_start3A_200 : memref<64x128xf32, #tpu.memory_space<hbm>>) target_semaphore(%arg19 : memref<!tpu.dma_semaphore, #tpu.memory_space<semaphore_mem>>)
    %dma_wait3A_205 = arith.constant 1 : i32
    %dma_wait3A_206 = arith.constant 0 : i32
    %dma_wait3A_207 = arith.constant 0 : i32
    %dma_wait3A_208 = tpu.memref_slice %arg8[%dma_wait3A_205, %dma_wait3A_206, %dma_wait3A_207] : memref<8x64x128xf32, #tpu.memory_space<vmem>> -> memref<1x64x128xf32, #tpu.memory_space<vmem>>
    %dma_wait3A_209 = tpu.memref_squeeze %dma_wait3A_208 : memref<1x64x128xf32, #tpu.memory_space<vmem>> -> memref<64x128xf32, #tpu.memory_space<vmem>>
    %dma_wait3A_210 = arith.constant 0 : i32
    %dma_wait3A_211 = tpu.memref_slice %arg5[%add3A_139, %dma_wait3A_210] : memref<16384x128xf32, #tpu.memory_space<hbm>> -> memref<64x128xf32, #tpu.memory_space<hbm>>
    %dma_wait3A_212 = arith.constant 0 : i32
    %dma_wait3A_213 = tpu.memref_slice %arg5[%add3A_139, %dma_wait3A_212] : memref<16384x128xf32, #tpu.memory_space<hbm>> -> memref<64x128xf32, #tpu.memory_space<hbm>>
    %dma_wait3A_214 = arith.constant 0 : i32
    %dma_wait3A_215 = arith.constant 0 : i32
    %dma_wait3A_216 = tpu.memref_slice %arg8[%dma_wait3A_205, %dma_wait3A_214, %dma_wait3A_215] : memref<8x64x128xf32, #tpu.memory_space<vmem>> -> memref<1x64x128xf32, #tpu.memory_space<vmem>>
    %dma_wait3A_217 = tpu.memref_squeeze %dma_wait3A_216 : memref<1x64x128xf32, #tpu.memory_space<vmem>> -> memref<64x128xf32, #tpu.memory_space<vmem>>
    tpu.wait_dma2 semaphore(%arg18 : memref<!tpu.dma_semaphore, #tpu.memory_space<semaphore_mem>>) src(%dma_wait3A_217 : memref<64x128xf32, #tpu.memory_space<vmem>>) dst(%dma_wait3A_213 : memref<64x128xf32, #tpu.memory_space<hbm>>)
    %dma_start3A_218 = arith.constant 1 : i32
    %dma_start3A_219 = arith.constant 1 : i32
    %dma_start3A_220 = arith.constant 0 : i32
    %dma_start3A_221 = arith.constant 0 : i32
    %dma_start3A_222 = tpu.memref_slice %arg8[%dma_start3A_219, %dma_start3A_220, %dma_start3A_221] : memref<8x64x128xf32, #tpu.memory_space<vmem>> -> memref<1x64x128xf32, #tpu.memory_space<vmem>>
    %dma_start3A_223 = tpu.memref_squeeze %dma_start3A_222 : memref<1x64x128xf32, #tpu.memory_space<vmem>> -> memref<64x128xf32, #tpu.memory_space<vmem>>
    %dma_start3A_224 = arith.constant 0 : i32
    %dma_start3A_225 = tpu.memref_slice %arg7[%dma_start3A_218, %dma_start3A_224] : memref<8x64xi32, #tpu.memory_space<vmem>> -> memref<1x64xi32, #tpu.memory_space<vmem>>
    %dma_start3A_226 = tpu.memref_squeeze %dma_start3A_225 : memref<1x64xi32, #tpu.memory_space<vmem>> -> memref<64xi32, #tpu.memory_space<vmem>>
    %dma_start3A_227 = arith.constant 0 : i32
    %dma_start3A_228 = arith.constant 0 : i32
    %dma_start3A_229 = tpu.memref_slice %arg4[%dma_start3A_227, %dma_start3A_228] : memref<100000x128xf32, #tpu.memory_space<hbm>> -> memref<100000x128xf32, #tpu.memory_space<hbm>>
    tpu.enqueue_indirect_dma source(%dma_start3A_229 : memref<100000x128xf32, #tpu.memory_space<hbm>>) target(%dma_start3A_223 : memref<64x128xf32, #tpu.memory_space<vmem>>) offsets(%dma_start3A_226 : memref<64xi32, #tpu.memory_space<vmem>>) semaphore(%arg10 : memref<!tpu.dma_semaphore, #tpu.memory_space<semaphore_mem>>)
    %dma_wait3A_230 = arith.constant 3 : i32
    %dma_wait3A_231 = arith.constant 3 : i32
    %dma_wait3A_232 = arith.constant 0 : i32
    %dma_wait3A_233 = arith.constant 0 : i32
    %dma_wait3A_234 = tpu.memref_slice %arg8[%dma_wait3A_231, %dma_wait3A_232, %dma_wait3A_233] : memref<8x64x128xf32, #tpu.memory_space<vmem>> -> memref<1x64x128xf32, #tpu.memory_space<vmem>>
    %dma_wait3A_235 = tpu.memref_squeeze %dma_wait3A_234 : memref<1x64x128xf32, #tpu.memory_space<vmem>> -> memref<64x128xf32, #tpu.memory_space<vmem>>
    %dma_wait3A_236 = arith.constant 0 : i32
    %dma_wait3A_237 = tpu.memref_slice %arg7[%dma_wait3A_230, %dma_wait3A_236] : memref<8x64xi32, #tpu.memory_space<vmem>> -> memref<1x64xi32, #tpu.memory_space<vmem>>
    %dma_wait3A_238 = tpu.memref_squeeze %dma_wait3A_237 : memref<1x64xi32, #tpu.memory_space<vmem>> -> memref<64xi32, #tpu.memory_space<vmem>>
    %dma_wait3A_239 = arith.constant 0 : i32
    %dma_wait3A_240 = arith.constant 0 : i32
    %dma_wait3A_241 = tpu.memref_slice %arg3[%dma_wait3A_239, %dma_wait3A_240] : memref<100000x128xf32, #tpu.memory_space<hbm>> -> memref<100000x128xf32, #tpu.memory_space<hbm>>
    tpu.wait_indirect_dma semaphore(%arg12 : memref<!tpu.dma_semaphore, #tpu.memory_space<semaphore_mem>>) src(%dma_wait3A_241 : memref<100000x128xf32, #tpu.memory_space<hbm>>) dst(%dma_wait3A_235 : memref<64x128xf32, #tpu.memory_space<vmem>>)
    %add3A_242 = arith.constant 192 : i32
    %add3A_243 = arith.addi %mul3A_2, %add3A_242 : i32
    %dma_start3A_244 = arith.constant 3 : i32
    %dma_start3A_245 = arith.constant 0 : i32
    %dma_start3A_246 = arith.constant 0 : i32
    %dma_start3A_247 = tpu.memref_slice %arg8[%dma_start3A_244, %dma_start3A_245, %dma_start3A_246] : memref<8x64x128xf32, #tpu.memory_space<vmem>> -> memref<1x64x128xf32, #tpu.memory_space<vmem>>
    %dma_start3A_248 = tpu.memref_squeeze %dma_start3A_247 : memref<1x64x128xf32, #tpu.memory_space<vmem>> -> memref<64x128xf32, #tpu.memory_space<vmem>>
    %dma_start3A_249 = arith.constant 0 : i32
    %dma_start3A_250 = tpu.memref_slice %arg5[%add3A_243, %dma_start3A_249] : memref<16384x128xf32, #tpu.memory_space<hbm>> -> memref<64x128xf32, #tpu.memory_space<hbm>>
    %dma_start3A_251 = arith.constant 0 : i32
    %dma_start3A_252 = tpu.memref_slice %arg5[%add3A_243, %dma_start3A_251] : memref<16384x128xf32, #tpu.memory_space<hbm>> -> memref<64x128xf32, #tpu.memory_space<hbm>>
    %dma_start3A_253 = arith.constant 0 : i32
    %dma_start3A_254 = arith.constant 0 : i32
    %dma_start3A_255 = tpu.memref_slice %arg8[%dma_start3A_244, %dma_start3A_253, %dma_start3A_254] : memref<8x64x128xf32, #tpu.memory_space<vmem>> -> memref<1x64x128xf32, #tpu.memory_space<vmem>>
    %dma_start3A_256 = tpu.memref_squeeze %dma_start3A_255 : memref<1x64x128xf32, #tpu.memory_space<vmem>> -> memref<64x128xf32, #tpu.memory_space<vmem>>
    tpu.enqueue_dma source(%dma_start3A_256 : memref<64x128xf32, #tpu.memory_space<vmem>>) target(%dma_start3A_252 : memref<64x128xf32, #tpu.memory_space<hbm>>) target_semaphore(%arg20 : memref<!tpu.dma_semaphore, #tpu.memory_space<semaphore_mem>>)
    %dma_wait3A_257 = arith.constant 2 : i32
    %dma_wait3A_258 = arith.constant 0 : i32
    %dma_wait3A_259 = arith.constant 0 : i32
    %dma_wait3A_260 = tpu.memref_slice %arg8[%dma_wait3A_257, %dma_wait3A_258, %dma_wait3A_259] : memref<8x64x128xf32, #tpu.memory_space<vmem>> -> memref<1x64x128xf32, #tpu.memory_space<vmem>>
    %dma_wait3A_261 = tpu.memref_squeeze %dma_wait3A_260 : memref<1x64x128xf32, #tpu.memory_space<vmem>> -> memref<64x128xf32, #tpu.memory_space<vmem>>
    %dma_wait3A_262 = arith.constant 0 : i32
    %dma_wait3A_263 = tpu.memref_slice %arg5[%add3A_191, %dma_wait3A_262] : memref<16384x128xf32, #tpu.memory_space<hbm>> -> memref<64x128xf32, #tpu.memory_space<hbm>>
    %dma_wait3A_264 = arith.constant 0 : i32
    %dma_wait3A_265 = tpu.memref_slice %arg5[%add3A_191, %dma_wait3A_264] : memref<16384x128xf32, #tpu.memory_space<hbm>> -> memref<64x128xf32, #tpu.memory_space<hbm>>
    %dma_wait3A_266 = arith.constant 0 : i32
    %dma_wait3A_267 = arith.constant 0 : i32
    %dma_wait3A_268 = tpu.memref_slice %arg8[%dma_wait3A_257, %dma_wait3A_266, %dma_wait3A_267] : memref<8x64x128xf32, #tpu.memory_space<vmem>> -> memref<1x64x128xf32, #tpu.memory_space<vmem>>
    %dma_wait3A_269 = tpu.memref_squeeze %dma_wait3A_268 : memref<1x64x128xf32, #tpu.memory_space<vmem>> -> memref<64x128xf32, #tpu.memory_space<vmem>>
    tpu.wait_dma2 semaphore(%arg19 : memref<!tpu.dma_semaphore, #tpu.memory_space<semaphore_mem>>) src(%dma_wait3A_269 : memref<64x128xf32, #tpu.memory_space<vmem>>) dst(%dma_wait3A_265 : memref<64x128xf32, #tpu.memory_space<hbm>>)
    %dma_start3A_270 = arith.constant 2 : i32
    %dma_start3A_271 = arith.constant 2 : i32
    %dma_start3A_272 = arith.constant 0 : i32
    %dma_start3A_273 = arith.constant 0 : i32
    %dma_start3A_274 = tpu.memref_slice %arg8[%dma_start3A_271, %dma_start3A_272, %dma_start3A_273] : memref<8x64x128xf32, #tpu.memory_space<vmem>> -> memref<1x64x128xf32, #tpu.memory_space<vmem>>
    %dma_start3A_275 = tpu.memref_squeeze %dma_start3A_274 : memref<1x64x128xf32, #tpu.memory_space<vmem>> -> memref<64x128xf32, #tpu.memory_space<vmem>>
    %dma_start3A_276 = arith.constant 0 : i32
    %dma_start3A_277 = tpu.memref_slice %arg7[%dma_start3A_270, %dma_start3A_276] : memref<8x64xi32, #tpu.memory_space<vmem>> -> memref<1x64xi32, #tpu.memory_space<vmem>>
    %dma_start3A_278 = tpu.memref_squeeze %dma_start3A_277 : memref<1x64xi32, #tpu.memory_space<vmem>> -> memref<64xi32, #tpu.memory_space<vmem>>
    %dma_start3A_279 = arith.constant 0 : i32
    %dma_start3A_280 = arith.constant 0 : i32
    %dma_start3A_281 = tpu.memref_slice %arg4[%dma_start3A_279, %dma_start3A_280] : memref<100000x128xf32, #tpu.memory_space<hbm>> -> memref<100000x128xf32, #tpu.memory_space<hbm>>
    tpu.enqueue_indirect_dma source(%dma_start3A_281 : memref<100000x128xf32, #tpu.memory_space<hbm>>) target(%dma_start3A_275 : memref<64x128xf32, #tpu.memory_space<vmem>>) offsets(%dma_start3A_278 : memref<64xi32, #tpu.memory_space<vmem>>) semaphore(%arg11 : memref<!tpu.dma_semaphore, #tpu.memory_space<semaphore_mem>>)
    %dma_wait3A_282 = arith.constant 4 : i32
    %dma_wait3A_283 = arith.constant 4 : i32
    %dma_wait3A_284 = arith.constant 0 : i32
    %dma_wait3A_285 = arith.constant 0 : i32
    %dma_wait3A_286 = tpu.memref_slice %arg8[%dma_wait3A_283, %dma_wait3A_284, %dma_wait3A_285] : memref<8x64x128xf32, #tpu.memory_space<vmem>> -> memref<1x64x128xf32, #tpu.memory_space<vmem>>
    %dma_wait3A_287 = tpu.memref_squeeze %dma_wait3A_286 : memref<1x64x128xf32, #tpu.memory_space<vmem>> -> memref<64x128xf32, #tpu.memory_space<vmem>>
    %dma_wait3A_288 = arith.constant 0 : i32
    %dma_wait3A_289 = tpu.memref_slice %arg7[%dma_wait3A_282, %dma_wait3A_288] : memref<8x64xi32, #tpu.memory_space<vmem>> -> memref<1x64xi32, #tpu.memory_space<vmem>>
    %dma_wait3A_290 = tpu.memref_squeeze %dma_wait3A_289 : memref<1x64xi32, #tpu.memory_space<vmem>> -> memref<64xi32, #tpu.memory_space<vmem>>
    %dma_wait3A_291 = arith.constant 0 : i32
    %dma_wait3A_292 = arith.constant 0 : i32
    %dma_wait3A_293 = tpu.memref_slice %arg3[%dma_wait3A_291, %dma_wait3A_292] : memref<100000x128xf32, #tpu.memory_space<hbm>> -> memref<100000x128xf32, #tpu.memory_space<hbm>>
    tpu.wait_indirect_dma semaphore(%arg13 : memref<!tpu.dma_semaphore, #tpu.memory_space<semaphore_mem>>) src(%dma_wait3A_293 : memref<100000x128xf32, #tpu.memory_space<hbm>>) dst(%dma_wait3A_287 : memref<64x128xf32, #tpu.memory_space<vmem>>)
    %add3A_294 = arith.constant 256 : i32
    %add3A_295 = arith.addi %mul3A_2, %add3A_294 : i32
    %dma_start3A_296 = arith.constant 4 : i32
    %dma_start3A_297 = arith.constant 0 : i32
    %dma_start3A_298 = arith.constant 0 : i32
    %dma_start3A_299 = tpu.memref_slice %arg8[%dma_start3A_296, %dma_start3A_297, %dma_start3A_298] : memref<8x64x128xf32, #tpu.memory_space<vmem>> -> memref<1x64x128xf32, #tpu.memory_space<vmem>>
    %dma_start3A_300 = tpu.memref_squeeze %dma_start3A_299 : memref<1x64x128xf32, #tpu.memory_space<vmem>> -> memref<64x128xf32, #tpu.memory_space<vmem>>
    %dma_start3A_301 = arith.constant 0 : i32
    %dma_start3A_302 = tpu.memref_slice %arg5[%add3A_295, %dma_start3A_301] : memref<16384x128xf32, #tpu.memory_space<hbm>> -> memref<64x128xf32, #tpu.memory_space<hbm>>
    %dma_start3A_303 = arith.constant 0 : i32
    %dma_start3A_304 = tpu.memref_slice %arg5[%add3A_295, %dma_start3A_303] : memref<16384x128xf32, #tpu.memory_space<hbm>> -> memref<64x128xf32, #tpu.memory_space<hbm>>
    %dma_start3A_305 = arith.constant 0 : i32
    %dma_start3A_306 = arith.constant 0 : i32
    %dma_start3A_307 = tpu.memref_slice %arg8[%dma_start3A_296, %dma_start3A_305, %dma_start3A_306] : memref<8x64x128xf32, #tpu.memory_space<vmem>> -> memref<1x64x128xf32, #tpu.memory_space<vmem>>
    %dma_start3A_308 = tpu.memref_squeeze %dma_start3A_307 : memref<1x64x128xf32, #tpu.memory_space<vmem>> -> memref<64x128xf32, #tpu.memory_space<vmem>>
    tpu.enqueue_dma source(%dma_start3A_308 : memref<64x128xf32, #tpu.memory_space<vmem>>) target(%dma_start3A_304 : memref<64x128xf32, #tpu.memory_space<hbm>>) target_semaphore(%arg21 : memref<!tpu.dma_semaphore, #tpu.memory_space<semaphore_mem>>)
    %dma_wait3A_309 = arith.constant 3 : i32
    %dma_wait3A_310 = arith.constant 0 : i32
    %dma_wait3A_311 = arith.constant 0 : i32
    %dma_wait3A_312 = tpu.memref_slice %arg8[%dma_wait3A_309, %dma_wait3A_310, %dma_wait3A_311] : memref<8x64x128xf32, #tpu.memory_space<vmem>> -> memref<1x64x128xf32, #tpu.memory_space<vmem>>
    %dma_wait3A_313 = tpu.memref_squeeze %dma_wait3A_312 : memref<1x64x128xf32, #tpu.memory_space<vmem>> -> memref<64x128xf32, #tpu.memory_space<vmem>>
    %dma_wait3A_314 = arith.constant 0 : i32
    %dma_wait3A_315 = tpu.memref_slice %arg5[%add3A_243, %dma_wait3A_314] : memref<16384x128xf32, #tpu.memory_space<hbm>> -> memref<64x128xf32, #tpu.memory_space<hbm>>
    %dma_wait3A_316 = arith.constant 0 : i32
    %dma_wait3A_317 = tpu.memref_slice %arg5[%add3A_243, %dma_wait3A_316] : memref<16384x128xf32, #tpu.memory_space<hbm>> -> memref<64x128xf32, #tpu.memory_space<hbm>>
    %dma_wait3A_318 = arith.constant 0 : i32
    %dma_wait3A_319 = arith.constant 0 : i32
    %dma_wait3A_320 = tpu.memref_slice %arg8[%dma_wait3A_309, %dma_wait3A_318, %dma_wait3A_319] : memref<8x64x128xf32, #tpu.memory_space<vmem>> -> memref<1x64x128xf32, #tpu.memory_space<vmem>>
    %dma_wait3A_321 = tpu.memref_squeeze %dma_wait3A_320 : memref<1x64x128xf32, #tpu.memory_space<vmem>> -> memref<64x128xf32, #tpu.memory_space<vmem>>
    tpu.wait_dma2 semaphore(%arg20 : memref<!tpu.dma_semaphore, #tpu.memory_space<semaphore_mem>>) src(%dma_wait3A_321 : memref<64x128xf32, #tpu.memory_space<vmem>>) dst(%dma_wait3A_317 : memref<64x128xf32, #tpu.memory_space<hbm>>)
    %dma_start3A_322 = arith.constant 3 : i32
    %dma_start3A_323 = arith.constant 3 : i32
    %dma_start3A_324 = arith.constant 0 : i32
    %dma_start3A_325 = arith.constant 0 : i32
    %dma_start3A_326 = tpu.memref_slice %arg8[%dma_start3A_323, %dma_start3A_324, %dma_start3A_325] : memref<8x64x128xf32, #tpu.memory_space<vmem>> -> memref<1x64x128xf32, #tpu.memory_space<vmem>>
    %dma_start3A_327 = tpu.memref_squeeze %dma_start3A_326 : memref<1x64x128xf32, #tpu.memory_space<vmem>> -> memref<64x128xf32, #tpu.memory_space<vmem>>
    %dma_start3A_328 = arith.constant 0 : i32
    %dma_start3A_329 = tpu.memref_slice %arg7[%dma_start3A_322, %dma_start3A_328] : memref<8x64xi32, #tpu.memory_space<vmem>> -> memref<1x64xi32, #tpu.memory_space<vmem>>
    %dma_start3A_330 = tpu.memref_squeeze %dma_start3A_329 : memref<1x64xi32, #tpu.memory_space<vmem>> -> memref<64xi32, #tpu.memory_space<vmem>>
    %dma_start3A_331 = arith.constant 0 : i32
    %dma_start3A_332 = arith.constant 0 : i32
    %dma_start3A_333 = tpu.memref_slice %arg4[%dma_start3A_331, %dma_start3A_332] : memref<100000x128xf32, #tpu.memory_space<hbm>> -> memref<100000x128xf32, #tpu.memory_space<hbm>>
    tpu.enqueue_indirect_dma source(%dma_start3A_333 : memref<100000x128xf32, #tpu.memory_space<hbm>>) target(%dma_start3A_327 : memref<64x128xf32, #tpu.memory_space<vmem>>) offsets(%dma_start3A_330 : memref<64xi32, #tpu.memory_space<vmem>>) semaphore(%arg12 : memref<!tpu.dma_semaphore, #tpu.memory_space<semaphore_mem>>)
    %dma_wait3A_334 = arith.constant 5 : i32
    %dma_wait3A_335 = arith.constant 5 : i32
    %dma_wait3A_336 = arith.constant 0 : i32
    %dma_wait3A_337 = arith.constant 0 : i32
    %dma_wait3A_338 = tpu.memref_slice %arg8[%dma_wait3A_335, %dma_wait3A_336, %dma_wait3A_337] : memref<8x64x128xf32, #tpu.memory_space<vmem>> -> memref<1x64x128xf32, #tpu.memory_space<vmem>>
    %dma_wait3A_339 = tpu.memref_squeeze %dma_wait3A_338 : memref<1x64x128xf32, #tpu.memory_space<vmem>> -> memref<64x128xf32, #tpu.memory_space<vmem>>
    %dma_wait3A_340 = arith.constant 0 : i32
    %dma_wait3A_341 = tpu.memref_slice %arg7[%dma_wait3A_334, %dma_wait3A_340] : memref<8x64xi32, #tpu.memory_space<vmem>> -> memref<1x64xi32, #tpu.memory_space<vmem>>
    %dma_wait3A_342 = tpu.memref_squeeze %dma_wait3A_341 : memref<1x64xi32, #tpu.memory_space<vmem>> -> memref<64xi32, #tpu.memory_space<vmem>>
    %dma_wait3A_343 = arith.constant 0 : i32
    %dma_wait3A_344 = arith.constant 0 : i32
    %dma_wait3A_345 = tpu.memref_slice %arg3[%dma_wait3A_343, %dma_wait3A_344] : memref<100000x128xf32, #tpu.memory_space<hbm>> -> memref<100000x128xf32, #tpu.memory_space<hbm>>
    tpu.wait_indirect_dma semaphore(%arg14 : memref<!tpu.dma_semaphore, #tpu.memory_space<semaphore_mem>>) src(%dma_wait3A_345 : memref<100000x128xf32, #tpu.memory_space<hbm>>) dst(%dma_wait3A_339 : memref<64x128xf32, #tpu.memory_space<vmem>>)
    %add3A_346 = arith.constant 320 : i32
    %add3A_347 = arith.addi %mul3A_2, %add3A_346 : i32
    %dma_start3A_348 = arith.constant 5 : i32
    %dma_start3A_349 = arith.constant 0 : i32
    %dma_start3A_350 = arith.constant 0 : i32
    %dma_start3A_351 = tpu.memref_slice %arg8[%dma_start3A_348, %dma_start3A_349, %dma_start3A_350] : memref<8x64x128xf32, #tpu.memory_space<vmem>> -> memref<1x64x128xf32, #tpu.memory_space<vmem>>
    %dma_start3A_352 = tpu.memref_squeeze %dma_start3A_351 : memref<1x64x128xf32, #tpu.memory_space<vmem>> -> memref<64x128xf32, #tpu.memory_space<vmem>>
    %dma_start3A_353 = arith.constant 0 : i32
    %dma_start3A_354 = tpu.memref_slice %arg5[%add3A_347, %dma_start3A_353] : memref<16384x128xf32, #tpu.memory_space<hbm>> -> memref<64x128xf32, #tpu.memory_space<hbm>>
    %dma_start3A_355 = arith.constant 0 : i32
    %dma_start3A_356 = tpu.memref_slice %arg5[%add3A_347, %dma_start3A_355] : memref<16384x128xf32, #tpu.memory_space<hbm>> -> memref<64x128xf32, #tpu.memory_space<hbm>>
    %dma_start3A_357 = arith.constant 0 : i32
    %dma_start3A_358 = arith.constant 0 : i32
    %dma_start3A_359 = tpu.memref_slice %arg8[%dma_start3A_348, %dma_start3A_357, %dma_start3A_358] : memref<8x64x128xf32, #tpu.memory_space<vmem>> -> memref<1x64x128xf32, #tpu.memory_space<vmem>>
    %dma_start3A_360 = tpu.memref_squeeze %dma_start3A_359 : memref<1x64x128xf32, #tpu.memory_space<vmem>> -> memref<64x128xf32, #tpu.memory_space<vmem>>
    tpu.enqueue_dma source(%dma_start3A_360 : memref<64x128xf32, #tpu.memory_space<vmem>>) target(%dma_start3A_356 : memref<64x128xf32, #tpu.memory_space<hbm>>) target_semaphore(%arg22 : memref<!tpu.dma_semaphore, #tpu.memory_space<semaphore_mem>>)
    %dma_wait3A_361 = arith.constant 4 : i32
    %dma_wait3A_362 = arith.constant 0 : i32
    %dma_wait3A_363 = arith.constant 0 : i32
    %dma_wait3A_364 = tpu.memref_slice %arg8[%dma_wait3A_361, %dma_wait3A_362, %dma_wait3A_363] : memref<8x64x128xf32, #tpu.memory_space<vmem>> -> memref<1x64x128xf32, #tpu.memory_space<vmem>>
    %dma_wait3A_365 = tpu.memref_squeeze %dma_wait3A_364 : memref<1x64x128xf32, #tpu.memory_space<vmem>> -> memref<64x128xf32, #tpu.memory_space<vmem>>
    %dma_wait3A_366 = arith.constant 0 : i32
    %dma_wait3A_367 = tpu.memref_slice %arg5[%add3A_295, %dma_wait3A_366] : memref<16384x128xf32, #tpu.memory_space<hbm>> -> memref<64x128xf32, #tpu.memory_space<hbm>>
    %dma_wait3A_368 = arith.constant 0 : i32
    %dma_wait3A_369 = tpu.memref_slice %arg5[%add3A_295, %dma_wait3A_368] : memref<16384x128xf32, #tpu.memory_space<hbm>> -> memref<64x128xf32, #tpu.memory_space<hbm>>
    %dma_wait3A_370 = arith.constant 0 : i32
    %dma_wait3A_371 = arith.constant 0 : i32
    %dma_wait3A_372 = tpu.memref_slice %arg8[%dma_wait3A_361, %dma_wait3A_370, %dma_wait3A_371] : memref<8x64x128xf32, #tpu.memory_space<vmem>> -> memref<1x64x128xf32, #tpu.memory_space<vmem>>
    %dma_wait3A_373 = tpu.memref_squeeze %dma_wait3A_372 : memref<1x64x128xf32, #tpu.memory_space<vmem>> -> memref<64x128xf32, #tpu.memory_space<vmem>>
    tpu.wait_dma2 semaphore(%arg21 : memref<!tpu.dma_semaphore, #tpu.memory_space<semaphore_mem>>) src(%dma_wait3A_373 : memref<64x128xf32, #tpu.memory_space<vmem>>) dst(%dma_wait3A_369 : memref<64x128xf32, #tpu.memory_space<hbm>>)
    %dma_start3A_374 = arith.constant 4 : i32
    %dma_start3A_375 = arith.constant 4 : i32
    %dma_start3A_376 = arith.constant 0 : i32
    %dma_start3A_377 = arith.constant 0 : i32
    %dma_start3A_378 = tpu.memref_slice %arg8[%dma_start3A_375, %dma_start3A_376, %dma_start3A_377] : memref<8x64x128xf32, #tpu.memory_space<vmem>> -> memref<1x64x128xf32, #tpu.memory_space<vmem>>
    %dma_start3A_379 = tpu.memref_squeeze %dma_start3A_378 : memref<1x64x128xf32, #tpu.memory_space<vmem>> -> memref<64x128xf32, #tpu.memory_space<vmem>>
    %dma_start3A_380 = arith.constant 0 : i32
    %dma_start3A_381 = tpu.memref_slice %arg7[%dma_start3A_374, %dma_start3A_380] : memref<8x64xi32, #tpu.memory_space<vmem>> -> memref<1x64xi32, #tpu.memory_space<vmem>>
    %dma_start3A_382 = tpu.memref_squeeze %dma_start3A_381 : memref<1x64xi32, #tpu.memory_space<vmem>> -> memref<64xi32, #tpu.memory_space<vmem>>
    %dma_start3A_383 = arith.constant 0 : i32
    %dma_start3A_384 = arith.constant 0 : i32
    %dma_start3A_385 = tpu.memref_slice %arg4[%dma_start3A_383, %dma_start3A_384] : memref<100000x128xf32, #tpu.memory_space<hbm>> -> memref<100000x128xf32, #tpu.memory_space<hbm>>
    tpu.enqueue_indirect_dma source(%dma_start3A_385 : memref<100000x128xf32, #tpu.memory_space<hbm>>) target(%dma_start3A_379 : memref<64x128xf32, #tpu.memory_space<vmem>>) offsets(%dma_start3A_382 : memref<64xi32, #tpu.memory_space<vmem>>) semaphore(%arg13 : memref<!tpu.dma_semaphore, #tpu.memory_space<semaphore_mem>>)
    %dma_wait3A_386 = arith.constant 6 : i32
    %dma_wait3A_387 = arith.constant 6 : i32
    %dma_wait3A_388 = arith.constant 0 : i32
    %dma_wait3A_389 = arith.constant 0 : i32
    %dma_wait3A_390 = tpu.memref_slice %arg8[%dma_wait3A_387, %dma_wait3A_388, %dma_wait3A_389] : memref<8x64x128xf32, #tpu.memory_space<vmem>> -> memref<1x64x128xf32, #tpu.memory_space<vmem>>
    %dma_wait3A_391 = tpu.memref_squeeze %dma_wait3A_390 : memref<1x64x128xf32, #tpu.memory_space<vmem>> -> memref<64x128xf32, #tpu.memory_space<vmem>>
    %dma_wait3A_392 = arith.constant 0 : i32
    %dma_wait3A_393 = tpu.memref_slice %arg7[%dma_wait3A_386, %dma_wait3A_392] : memref<8x64xi32, #tpu.memory_space<vmem>> -> memref<1x64xi32, #tpu.memory_space<vmem>>
    %dma_wait3A_394 = tpu.memref_squeeze %dma_wait3A_393 : memref<1x64xi32, #tpu.memory_space<vmem>> -> memref<64xi32, #tpu.memory_space<vmem>>
    %dma_wait3A_395 = arith.constant 0 : i32
    %dma_wait3A_396 = arith.constant 0 : i32
    %dma_wait3A_397 = tpu.memref_slice %arg3[%dma_wait3A_395, %dma_wait3A_396] : memref<100000x128xf32, #tpu.memory_space<hbm>> -> memref<100000x128xf32, #tpu.memory_space<hbm>>
    tpu.wait_indirect_dma semaphore(%arg15 : memref<!tpu.dma_semaphore, #tpu.memory_space<semaphore_mem>>) src(%dma_wait3A_397 : memref<100000x128xf32, #tpu.memory_space<hbm>>) dst(%dma_wait3A_391 : memref<64x128xf32, #tpu.memory_space<vmem>>)
    %add3A_398 = arith.constant 384 : i32
    %add3A_399 = arith.addi %mul3A_2, %add3A_398 : i32
    %dma_start3A_400 = arith.constant 6 : i32
    %dma_start3A_401 = arith.constant 0 : i32
    %dma_start3A_402 = arith.constant 0 : i32
    %dma_start3A_403 = tpu.memref_slice %arg8[%dma_start3A_400, %dma_start3A_401, %dma_start3A_402] : memref<8x64x128xf32, #tpu.memory_space<vmem>> -> memref<1x64x128xf32, #tpu.memory_space<vmem>>
    %dma_start3A_404 = tpu.memref_squeeze %dma_start3A_403 : memref<1x64x128xf32, #tpu.memory_space<vmem>> -> memref<64x128xf32, #tpu.memory_space<vmem>>
    %dma_start3A_405 = arith.constant 0 : i32
    %dma_start3A_406 = tpu.memref_slice %arg5[%add3A_399, %dma_start3A_405] : memref<16384x128xf32, #tpu.memory_space<hbm>> -> memref<64x128xf32, #tpu.memory_space<hbm>>
    %dma_start3A_407 = arith.constant 0 : i32
    %dma_start3A_408 = tpu.memref_slice %arg5[%add3A_399, %dma_start3A_407] : memref<16384x128xf32, #tpu.memory_space<hbm>> -> memref<64x128xf32, #tpu.memory_space<hbm>>
    %dma_start3A_409 = arith.constant 0 : i32
    %dma_start3A_410 = arith.constant 0 : i32
    %dma_start3A_411 = tpu.memref_slice %arg8[%dma_start3A_400, %dma_start3A_409, %dma_start3A_410] : memref<8x64x128xf32, #tpu.memory_space<vmem>> -> memref<1x64x128xf32, #tpu.memory_space<vmem>>
    %dma_start3A_412 = tpu.memref_squeeze %dma_start3A_411 : memref<1x64x128xf32, #tpu.memory_space<vmem>> -> memref<64x128xf32, #tpu.memory_space<vmem>>
    tpu.enqueue_dma source(%dma_start3A_412 : memref<64x128xf32, #tpu.memory_space<vmem>>) target(%dma_start3A_408 : memref<64x128xf32, #tpu.memory_space<hbm>>) target_semaphore(%arg23 : memref<!tpu.dma_semaphore, #tpu.memory_space<semaphore_mem>>)
    %dma_wait3A_413 = arith.constant 5 : i32
    %dma_wait3A_414 = arith.constant 0 : i32
    %dma_wait3A_415 = arith.constant 0 : i32
    %dma_wait3A_416 = tpu.memref_slice %arg8[%dma_wait3A_413, %dma_wait3A_414, %dma_wait3A_415] : memref<8x64x128xf32, #tpu.memory_space<vmem>> -> memref<1x64x128xf32, #tpu.memory_space<vmem>>
    %dma_wait3A_417 = tpu.memref_squeeze %dma_wait3A_416 : memref<1x64x128xf32, #tpu.memory_space<vmem>> -> memref<64x128xf32, #tpu.memory_space<vmem>>
    %dma_wait3A_418 = arith.constant 0 : i32
    %dma_wait3A_419 = tpu.memref_slice %arg5[%add3A_347, %dma_wait3A_418] : memref<16384x128xf32, #tpu.memory_space<hbm>> -> memref<64x128xf32, #tpu.memory_space<hbm>>
    %dma_wait3A_420 = arith.constant 0 : i32
    %dma_wait3A_421 = tpu.memref_slice %arg5[%add3A_347, %dma_wait3A_420] : memref<16384x128xf32, #tpu.memory_space<hbm>> -> memref<64x128xf32, #tpu.memory_space<hbm>>
    %dma_wait3A_422 = arith.constant 0 : i32
    %dma_wait3A_423 = arith.constant 0 : i32
    %dma_wait3A_424 = tpu.memref_slice %arg8[%dma_wait3A_413, %dma_wait3A_422, %dma_wait3A_423] : memref<8x64x128xf32, #tpu.memory_space<vmem>> -> memref<1x64x128xf32, #tpu.memory_space<vmem>>
    %dma_wait3A_425 = tpu.memref_squeeze %dma_wait3A_424 : memref<1x64x128xf32, #tpu.memory_space<vmem>> -> memref<64x128xf32, #tpu.memory_space<vmem>>
    tpu.wait_dma2 semaphore(%arg22 : memref<!tpu.dma_semaphore, #tpu.memory_space<semaphore_mem>>) src(%dma_wait3A_425 : memref<64x128xf32, #tpu.memory_space<vmem>>) dst(%dma_wait3A_421 : memref<64x128xf32, #tpu.memory_space<hbm>>)
    %dma_start3A_426 = arith.constant 5 : i32
    %dma_start3A_427 = arith.constant 5 : i32
    %dma_start3A_428 = arith.constant 0 : i32
    %dma_start3A_429 = arith.constant 0 : i32
    %dma_start3A_430 = tpu.memref_slice %arg8[%dma_start3A_427, %dma_start3A_428, %dma_start3A_429] : memref<8x64x128xf32, #tpu.memory_space<vmem>> -> memref<1x64x128xf32, #tpu.memory_space<vmem>>
    %dma_start3A_431 = tpu.memref_squeeze %dma_start3A_430 : memref<1x64x128xf32, #tpu.memory_space<vmem>> -> memref<64x128xf32, #tpu.memory_space<vmem>>
    %dma_start3A_432 = arith.constant 0 : i32
    %dma_start3A_433 = tpu.memref_slice %arg7[%dma_start3A_426, %dma_start3A_432] : memref<8x64xi32, #tpu.memory_space<vmem>> -> memref<1x64xi32, #tpu.memory_space<vmem>>
    %dma_start3A_434 = tpu.memref_squeeze %dma_start3A_433 : memref<1x64xi32, #tpu.memory_space<vmem>> -> memref<64xi32, #tpu.memory_space<vmem>>
    %dma_start3A_435 = arith.constant 0 : i32
    %dma_start3A_436 = arith.constant 0 : i32
    %dma_start3A_437 = tpu.memref_slice %arg4[%dma_start3A_435, %dma_start3A_436] : memref<100000x128xf32, #tpu.memory_space<hbm>> -> memref<100000x128xf32, #tpu.memory_space<hbm>>
    tpu.enqueue_indirect_dma source(%dma_start3A_437 : memref<100000x128xf32, #tpu.memory_space<hbm>>) target(%dma_start3A_431 : memref<64x128xf32, #tpu.memory_space<vmem>>) offsets(%dma_start3A_434 : memref<64xi32, #tpu.memory_space<vmem>>) semaphore(%arg14 : memref<!tpu.dma_semaphore, #tpu.memory_space<semaphore_mem>>)
    %dma_wait3A_438 = arith.constant 7 : i32
    %dma_wait3A_439 = arith.constant 7 : i32
    %dma_wait3A_440 = arith.constant 0 : i32
    %dma_wait3A_441 = arith.constant 0 : i32
    %dma_wait3A_442 = tpu.memref_slice %arg8[%dma_wait3A_439, %dma_wait3A_440, %dma_wait3A_441] : memref<8x64x128xf32, #tpu.memory_space<vmem>> -> memref<1x64x128xf32, #tpu.memory_space<vmem>>
    %dma_wait3A_443 = tpu.memref_squeeze %dma_wait3A_442 : memref<1x64x128xf32, #tpu.memory_space<vmem>> -> memref<64x128xf32, #tpu.memory_space<vmem>>
    %dma_wait3A_444 = arith.constant 0 : i32
    %dma_wait3A_445 = tpu.memref_slice %arg7[%dma_wait3A_438, %dma_wait3A_444] : memref<8x64xi32, #tpu.memory_space<vmem>> -> memref<1x64xi32, #tpu.memory_space<vmem>>
    %dma_wait3A_446 = tpu.memref_squeeze %dma_wait3A_445 : memref<1x64xi32, #tpu.memory_space<vmem>> -> memref<64xi32, #tpu.memory_space<vmem>>
    %dma_wait3A_447 = arith.constant 0 : i32
    %dma_wait3A_448 = arith.constant 0 : i32
    %dma_wait3A_449 = tpu.memref_slice %arg3[%dma_wait3A_447, %dma_wait3A_448] : memref<100000x128xf32, #tpu.memory_space<hbm>> -> memref<100000x128xf32, #tpu.memory_space<hbm>>
    tpu.wait_indirect_dma semaphore(%arg16 : memref<!tpu.dma_semaphore, #tpu.memory_space<semaphore_mem>>) src(%dma_wait3A_449 : memref<100000x128xf32, #tpu.memory_space<hbm>>) dst(%dma_wait3A_443 : memref<64x128xf32, #tpu.memory_space<vmem>>)
    %add3A_450 = arith.constant 448 : i32
    %add3A_451 = arith.addi %mul3A_2, %add3A_450 : i32
    %dma_start3A_452 = arith.constant 7 : i32
    %dma_start3A_453 = arith.constant 0 : i32
    %dma_start3A_454 = arith.constant 0 : i32
    %dma_start3A_455 = tpu.memref_slice %arg8[%dma_start3A_452, %dma_start3A_453, %dma_start3A_454] : memref<8x64x128xf32, #tpu.memory_space<vmem>> -> memref<1x64x128xf32, #tpu.memory_space<vmem>>
    %dma_start3A_456 = tpu.memref_squeeze %dma_start3A_455 : memref<1x64x128xf32, #tpu.memory_space<vmem>> -> memref<64x128xf32, #tpu.memory_space<vmem>>
    %dma_start3A_457 = arith.constant 0 : i32
    %dma_start3A_458 = tpu.memref_slice %arg5[%add3A_451, %dma_start3A_457] : memref<16384x128xf32, #tpu.memory_space<hbm>> -> memref<64x128xf32, #tpu.memory_space<hbm>>
    %dma_start3A_459 = arith.constant 0 : i32
    %dma_start3A_460 = tpu.memref_slice %arg5[%add3A_451, %dma_start3A_459] : memref<16384x128xf32, #tpu.memory_space<hbm>> -> memref<64x128xf32, #tpu.memory_space<hbm>>
    %dma_start3A_461 = arith.constant 0 : i32
    %dma_start3A_462 = arith.constant 0 : i32
    %dma_start3A_463 = tpu.memref_slice %arg8[%dma_start3A_452, %dma_start3A_461, %dma_start3A_462] : memref<8x64x128xf32, #tpu.memory_space<vmem>> -> memref<1x64x128xf32, #tpu.memory_space<vmem>>
    %dma_start3A_464 = tpu.memref_squeeze %dma_start3A_463 : memref<1x64x128xf32, #tpu.memory_space<vmem>> -> memref<64x128xf32, #tpu.memory_space<vmem>>
    tpu.enqueue_dma source(%dma_start3A_464 : memref<64x128xf32, #tpu.memory_space<vmem>>) target(%dma_start3A_460 : memref<64x128xf32, #tpu.memory_space<hbm>>) target_semaphore(%arg24 : memref<!tpu.dma_semaphore, #tpu.memory_space<semaphore_mem>>)
    %dma_wait3A_465 = arith.constant 6 : i32
    %dma_wait3A_466 = arith.constant 0 : i32
    %dma_wait3A_467 = arith.constant 0 : i32
    %dma_wait3A_468 = tpu.memref_slice %arg8[%dma_wait3A_465, %dma_wait3A_466, %dma_wait3A_467] : memref<8x64x128xf32, #tpu.memory_space<vmem>> -> memref<1x64x128xf32, #tpu.memory_space<vmem>>
    %dma_wait3A_469 = tpu.memref_squeeze %dma_wait3A_468 : memref<1x64x128xf32, #tpu.memory_space<vmem>> -> memref<64x128xf32, #tpu.memory_space<vmem>>
    %dma_wait3A_470 = arith.constant 0 : i32
    %dma_wait3A_471 = tpu.memref_slice %arg5[%add3A_399, %dma_wait3A_470] : memref<16384x128xf32, #tpu.memory_space<hbm>> -> memref<64x128xf32, #tpu.memory_space<hbm>>
    %dma_wait3A_472 = arith.constant 0 : i32
    %dma_wait3A_473 = tpu.memref_slice %arg5[%add3A_399, %dma_wait3A_472] : memref<16384x128xf32, #tpu.memory_space<hbm>> -> memref<64x128xf32, #tpu.memory_space<hbm>>
    %dma_wait3A_474 = arith.constant 0 : i32
    %dma_wait3A_475 = arith.constant 0 : i32
    %dma_wait3A_476 = tpu.memref_slice %arg8[%dma_wait3A_465, %dma_wait3A_474, %dma_wait3A_475] : memref<8x64x128xf32, #tpu.memory_space<vmem>> -> memref<1x64x128xf32, #tpu.memory_space<vmem>>
    %dma_wait3A_477 = tpu.memref_squeeze %dma_wait3A_476 : memref<1x64x128xf32, #tpu.memory_space<vmem>> -> memref<64x128xf32, #tpu.memory_space<vmem>>
    tpu.wait_dma2 semaphore(%arg23 : memref<!tpu.dma_semaphore, #tpu.memory_space<semaphore_mem>>) src(%dma_wait3A_477 : memref<64x128xf32, #tpu.memory_space<vmem>>) dst(%dma_wait3A_473 : memref<64x128xf32, #tpu.memory_space<hbm>>)
    %dma_start3A_478 = arith.constant 6 : i32
    %dma_start3A_479 = arith.constant 6 : i32
    %dma_start3A_480 = arith.constant 0 : i32
    %dma_start3A_481 = arith.constant 0 : i32
    %dma_start3A_482 = tpu.memref_slice %arg8[%dma_start3A_479, %dma_start3A_480, %dma_start3A_481] : memref<8x64x128xf32, #tpu.memory_space<vmem>> -> memref<1x64x128xf32, #tpu.memory_space<vmem>>
    %dma_start3A_483 = tpu.memref_squeeze %dma_start3A_482 : memref<1x64x128xf32, #tpu.memory_space<vmem>> -> memref<64x128xf32, #tpu.memory_space<vmem>>
    %dma_start3A_484 = arith.constant 0 : i32
    %dma_start3A_485 = tpu.memref_slice %arg7[%dma_start3A_478, %dma_start3A_484] : memref<8x64xi32, #tpu.memory_space<vmem>> -> memref<1x64xi32, #tpu.memory_space<vmem>>
    %dma_start3A_486 = tpu.memref_squeeze %dma_start3A_485 : memref<1x64xi32, #tpu.memory_space<vmem>> -> memref<64xi32, #tpu.memory_space<vmem>>
    %dma_start3A_487 = arith.constant 0 : i32
    %dma_start3A_488 = arith.constant 0 : i32
    %dma_start3A_489 = tpu.memref_slice %arg4[%dma_start3A_487, %dma_start3A_488] : memref<100000x128xf32, #tpu.memory_space<hbm>> -> memref<100000x128xf32, #tpu.memory_space<hbm>>
    tpu.enqueue_indirect_dma source(%dma_start3A_489 : memref<100000x128xf32, #tpu.memory_space<hbm>>) target(%dma_start3A_483 : memref<64x128xf32, #tpu.memory_space<vmem>>) offsets(%dma_start3A_486 : memref<64xi32, #tpu.memory_space<vmem>>) semaphore(%arg15 : memref<!tpu.dma_semaphore, #tpu.memory_space<semaphore_mem>>)
    %dma_wait3A_490 = arith.constant 0 : i32
    %dma_wait3A_491 = arith.constant 0 : i32
    %dma_wait3A_492 = arith.constant 0 : i32
    %dma_wait3A_493 = arith.constant 0 : i32
    %dma_wait3A_494 = tpu.memref_slice %arg8[%dma_wait3A_491, %dma_wait3A_492, %dma_wait3A_493] : memref<8x64x128xf32, #tpu.memory_space<vmem>> -> memref<1x64x128xf32, #tpu.memory_space<vmem>>
    %dma_wait3A_495 = tpu.memref_squeeze %dma_wait3A_494 : memref<1x64x128xf32, #tpu.memory_space<vmem>> -> memref<64x128xf32, #tpu.memory_space<vmem>>
    %dma_wait3A_496 = arith.constant 0 : i32
    %dma_wait3A_497 = tpu.memref_slice %arg7[%dma_wait3A_490, %dma_wait3A_496] : memref<8x64xi32, #tpu.memory_space<vmem>> -> memref<1x64xi32, #tpu.memory_space<vmem>>
    %dma_wait3A_498 = tpu.memref_squeeze %dma_wait3A_497 : memref<1x64xi32, #tpu.memory_space<vmem>> -> memref<64xi32, #tpu.memory_space<vmem>>
    %dma_wait3A_499 = arith.constant 0 : i32
    %dma_wait3A_500 = arith.constant 0 : i32
    %dma_wait3A_501 = tpu.memref_slice %arg4[%dma_wait3A_499, %dma_wait3A_500] : memref<100000x128xf32, #tpu.memory_space<hbm>> -> memref<100000x128xf32, #tpu.memory_space<hbm>>
    tpu.wait_indirect_dma semaphore(%arg9 : memref<!tpu.dma_semaphore, #tpu.memory_space<semaphore_mem>>) src(%dma_wait3A_501 : memref<100000x128xf32, #tpu.memory_space<hbm>>) dst(%dma_wait3A_495 : memref<64x128xf32, #tpu.memory_space<vmem>>)
    %add3A_502 = arith.constant 0 : i32
    %add3A_503 = arith.addi %mul3A_2, %add3A_502 : i32
    %dma_start3A_504 = arith.constant 0 : i32
    %dma_start3A_505 = arith.constant 0 : i32
    %dma_start3A_506 = arith.constant 0 : i32
    %dma_start3A_507 = tpu.memref_slice %arg8[%dma_start3A_504, %dma_start3A_505, %dma_start3A_506] : memref<8x64x128xf32, #tpu.memory_space<vmem>> -> memref<1x64x128xf32, #tpu.memory_space<vmem>>
    %dma_start3A_508 = tpu.memref_squeeze %dma_start3A_507 : memref<1x64x128xf32, #tpu.memory_space<vmem>> -> memref<64x128xf32, #tpu.memory_space<vmem>>
    %dma_start3A_509 = arith.constant 0 : i32
    %dma_start3A_510 = tpu.memref_slice %arg6[%add3A_503, %dma_start3A_509] : memref<16384x128xf32, #tpu.memory_space<hbm>> -> memref<64x128xf32, #tpu.memory_space<hbm>>
    %dma_start3A_511 = arith.constant 0 : i32
    %dma_start3A_512 = tpu.memref_slice %arg6[%add3A_503, %dma_start3A_511] : memref<16384x128xf32, #tpu.memory_space<hbm>> -> memref<64x128xf32, #tpu.memory_space<hbm>>
    %dma_start3A_513 = arith.constant 0 : i32
    %dma_start3A_514 = arith.constant 0 : i32
    %dma_start3A_515 = tpu.memref_slice %arg8[%dma_start3A_504, %dma_start3A_513, %dma_start3A_514] : memref<8x64x128xf32, #tpu.memory_space<vmem>> -> memref<1x64x128xf32, #tpu.memory_space<vmem>>
    %dma_start3A_516 = tpu.memref_squeeze %dma_start3A_515 : memref<1x64x128xf32, #tpu.memory_space<vmem>> -> memref<64x128xf32, #tpu.memory_space<vmem>>
    tpu.enqueue_dma source(%dma_start3A_516 : memref<64x128xf32, #tpu.memory_space<vmem>>) target(%dma_start3A_512 : memref<64x128xf32, #tpu.memory_space<hbm>>) target_semaphore(%arg17 : memref<!tpu.dma_semaphore, #tpu.memory_space<semaphore_mem>>)
    %dma_wait3A_517 = arith.constant 7 : i32
    %dma_wait3A_518 = arith.constant 0 : i32
    %dma_wait3A_519 = arith.constant 0 : i32
    %dma_wait3A_520 = tpu.memref_slice %arg8[%dma_wait3A_517, %dma_wait3A_518, %dma_wait3A_519] : memref<8x64x128xf32, #tpu.memory_space<vmem>> -> memref<1x64x128xf32, #tpu.memory_space<vmem>>
    %dma_wait3A_521 = tpu.memref_squeeze %dma_wait3A_520 : memref<1x64x128xf32, #tpu.memory_space<vmem>> -> memref<64x128xf32, #tpu.memory_space<vmem>>
    %dma_wait3A_522 = arith.constant 0 : i32
    %dma_wait3A_523 = tpu.memref_slice %arg5[%add3A_451, %dma_wait3A_522] : memref<16384x128xf32, #tpu.memory_space<hbm>> -> memref<64x128xf32, #tpu.memory_space<hbm>>
    %dma_wait3A_524 = arith.constant 0 : i32
    %dma_wait3A_525 = tpu.memref_slice %arg5[%add3A_451, %dma_wait3A_524] : memref<16384x128xf32, #tpu.memory_space<hbm>> -> memref<64x128xf32, #tpu.memory_space<hbm>>
    %dma_wait3A_526 = arith.constant 0 : i32
    %dma_wait3A_527 = arith.constant 0 : i32
    %dma_wait3A_528 = tpu.memref_slice %arg8[%dma_wait3A_517, %dma_wait3A_526, %dma_wait3A_527] : memref<8x64x128xf32, #tpu.memory_space<vmem>> -> memref<1x64x128xf32, #tpu.memory_space<vmem>>
    %dma_wait3A_529 = tpu.memref_squeeze %dma_wait3A_528 : memref<1x64x128xf32, #tpu.memory_space<vmem>> -> memref<64x128xf32, #tpu.memory_space<vmem>>
    tpu.wait_dma2 semaphore(%arg24 : memref<!tpu.dma_semaphore, #tpu.memory_space<semaphore_mem>>) src(%dma_wait3A_529 : memref<64x128xf32, #tpu.memory_space<vmem>>) dst(%dma_wait3A_525 : memref<64x128xf32, #tpu.memory_space<hbm>>)
    %dma_start3A_530 = arith.constant 7 : i32
    %dma_start3A_531 = arith.constant 7 : i32
    %dma_start3A_532 = arith.constant 0 : i32
    %dma_start3A_533 = arith.constant 0 : i32
    %dma_start3A_534 = tpu.memref_slice %arg8[%dma_start3A_531, %dma_start3A_532, %dma_start3A_533] : memref<8x64x128xf32, #tpu.memory_space<vmem>> -> memref<1x64x128xf32, #tpu.memory_space<vmem>>
    %dma_start3A_535 = tpu.memref_squeeze %dma_start3A_534 : memref<1x64x128xf32, #tpu.memory_space<vmem>> -> memref<64x128xf32, #tpu.memory_space<vmem>>
    %dma_start3A_536 = arith.constant 0 : i32
    %dma_start3A_537 = tpu.memref_slice %arg7[%dma_start3A_530, %dma_start3A_536] : memref<8x64xi32, #tpu.memory_space<vmem>> -> memref<1x64xi32, #tpu.memory_space<vmem>>
    %dma_start3A_538 = tpu.memref_squeeze %dma_start3A_537 : memref<1x64xi32, #tpu.memory_space<vmem>> -> memref<64xi32, #tpu.memory_space<vmem>>
    %dma_start3A_539 = arith.constant 0 : i32
    %dma_start3A_540 = arith.constant 0 : i32
    %dma_start3A_541 = tpu.memref_slice %arg4[%dma_start3A_539, %dma_start3A_540] : memref<100000x128xf32, #tpu.memory_space<hbm>> -> memref<100000x128xf32, #tpu.memory_space<hbm>>
    tpu.enqueue_indirect_dma source(%dma_start3A_541 : memref<100000x128xf32, #tpu.memory_space<hbm>>) target(%dma_start3A_535 : memref<64x128xf32, #tpu.memory_space<vmem>>) offsets(%dma_start3A_538 : memref<64xi32, #tpu.memory_space<vmem>>) semaphore(%arg16 : memref<!tpu.dma_semaphore, #tpu.memory_space<semaphore_mem>>)
    %dma_wait3A_542 = arith.constant 1 : i32
    %dma_wait3A_543 = arith.constant 1 : i32
    %dma_wait3A_544 = arith.constant 0 : i32
    %dma_wait3A_545 = arith.constant 0 : i32
    %dma_wait3A_546 = tpu.memref_slice %arg8[%dma_wait3A_543, %dma_wait3A_544, %dma_wait3A_545] : memref<8x64x128xf32, #tpu.memory_space<vmem>> -> memref<1x64x128xf32, #tpu.memory_space<vmem>>
    %dma_wait3A_547 = tpu.memref_squeeze %dma_wait3A_546 : memref<1x64x128xf32, #tpu.memory_space<vmem>> -> memref<64x128xf32, #tpu.memory_space<vmem>>
    %dma_wait3A_548 = arith.constant 0 : i32
    %dma_wait3A_549 = tpu.memref_slice %arg7[%dma_wait3A_542, %dma_wait3A_548] : memref<8x64xi32, #tpu.memory_space<vmem>> -> memref<1x64xi32, #tpu.memory_space<vmem>>
    %dma_wait3A_550 = tpu.memref_squeeze %dma_wait3A_549 : memref<1x64xi32, #tpu.memory_space<vmem>> -> memref<64xi32, #tpu.memory_space<vmem>>
    %dma_wait3A_551 = arith.constant 0 : i32
    %dma_wait3A_552 = arith.constant 0 : i32
    %dma_wait3A_553 = tpu.memref_slice %arg4[%dma_wait3A_551, %dma_wait3A_552] : memref<100000x128xf32, #tpu.memory_space<hbm>> -> memref<100000x128xf32, #tpu.memory_space<hbm>>
    tpu.wait_indirect_dma semaphore(%arg10 : memref<!tpu.dma_semaphore, #tpu.memory_space<semaphore_mem>>) src(%dma_wait3A_553 : memref<100000x128xf32, #tpu.memory_space<hbm>>) dst(%dma_wait3A_547 : memref<64x128xf32, #tpu.memory_space<vmem>>)
    %add3A_554 = arith.constant 64 : i32
    %add3A_555 = arith.addi %mul3A_2, %add3A_554 : i32
    %dma_start3A_556 = arith.constant 1 : i32
    %dma_start3A_557 = arith.constant 0 : i32
    %dma_start3A_558 = arith.constant 0 : i32
    %dma_start3A_559 = tpu.memref_slice %arg8[%dma_start3A_556, %dma_start3A_557, %dma_start3A_558] : memref<8x64x128xf32, #tpu.memory_space<vmem>> -> memref<1x64x128xf32, #tpu.memory_space<vmem>>
    %dma_start3A_560 = tpu.memref_squeeze %dma_start3A_559 : memref<1x64x128xf32, #tpu.memory_space<vmem>> -> memref<64x128xf32, #tpu.memory_space<vmem>>
    %dma_start3A_561 = arith.constant 0 : i32
    %dma_start3A_562 = tpu.memref_slice %arg6[%add3A_555, %dma_start3A_561] : memref<16384x128xf32, #tpu.memory_space<hbm>> -> memref<64x128xf32, #tpu.memory_space<hbm>>
    %dma_start3A_563 = arith.constant 0 : i32
    %dma_start3A_564 = tpu.memref_slice %arg6[%add3A_555, %dma_start3A_563] : memref<16384x128xf32, #tpu.memory_space<hbm>> -> memref<64x128xf32, #tpu.memory_space<hbm>>
    %dma_start3A_565 = arith.constant 0 : i32
    %dma_start3A_566 = arith.constant 0 : i32
    %dma_start3A_567 = tpu.memref_slice %arg8[%dma_start3A_556, %dma_start3A_565, %dma_start3A_566] : memref<8x64x128xf32, #tpu.memory_space<vmem>> -> memref<1x64x128xf32, #tpu.memory_space<vmem>>
    %dma_start3A_568 = tpu.memref_squeeze %dma_start3A_567 : memref<1x64x128xf32, #tpu.memory_space<vmem>> -> memref<64x128xf32, #tpu.memory_space<vmem>>
    tpu.enqueue_dma source(%dma_start3A_568 : memref<64x128xf32, #tpu.memory_space<vmem>>) target(%dma_start3A_564 : memref<64x128xf32, #tpu.memory_space<hbm>>) target_semaphore(%arg18 : memref<!tpu.dma_semaphore, #tpu.memory_space<semaphore_mem>>)
    %dma_wait3A_569 = arith.constant 2 : i32
    %dma_wait3A_570 = arith.constant 2 : i32
    %dma_wait3A_571 = arith.constant 0 : i32
    %dma_wait3A_572 = arith.constant 0 : i32
    %dma_wait3A_573 = tpu.memref_slice %arg8[%dma_wait3A_570, %dma_wait3A_571, %dma_wait3A_572] : memref<8x64x128xf32, #tpu.memory_space<vmem>> -> memref<1x64x128xf32, #tpu.memory_space<vmem>>
    %dma_wait3A_574 = tpu.memref_squeeze %dma_wait3A_573 : memref<1x64x128xf32, #tpu.memory_space<vmem>> -> memref<64x128xf32, #tpu.memory_space<vmem>>
    %dma_wait3A_575 = arith.constant 0 : i32
    %dma_wait3A_576 = tpu.memref_slice %arg7[%dma_wait3A_569, %dma_wait3A_575] : memref<8x64xi32, #tpu.memory_space<vmem>> -> memref<1x64xi32, #tpu.memory_space<vmem>>
    %dma_wait3A_577 = tpu.memref_squeeze %dma_wait3A_576 : memref<1x64xi32, #tpu.memory_space<vmem>> -> memref<64xi32, #tpu.memory_space<vmem>>
    %dma_wait3A_578 = arith.constant 0 : i32
    %dma_wait3A_579 = arith.constant 0 : i32
    %dma_wait3A_580 = tpu.memref_slice %arg4[%dma_wait3A_578, %dma_wait3A_579] : memref<100000x128xf32, #tpu.memory_space<hbm>> -> memref<100000x128xf32, #tpu.memory_space<hbm>>
    tpu.wait_indirect_dma semaphore(%arg11 : memref<!tpu.dma_semaphore, #tpu.memory_space<semaphore_mem>>) src(%dma_wait3A_580 : memref<100000x128xf32, #tpu.memory_space<hbm>>) dst(%dma_wait3A_574 : memref<64x128xf32, #tpu.memory_space<vmem>>)
    %add3A_581 = arith.constant 128 : i32
    %add3A_582 = arith.addi %mul3A_2, %add3A_581 : i32
    %dma_start3A_583 = arith.constant 2 : i32
    %dma_start3A_584 = arith.constant 0 : i32
    %dma_start3A_585 = arith.constant 0 : i32
    %dma_start3A_586 = tpu.memref_slice %arg8[%dma_start3A_583, %dma_start3A_584, %dma_start3A_585] : memref<8x64x128xf32, #tpu.memory_space<vmem>> -> memref<1x64x128xf32, #tpu.memory_space<vmem>>
    %dma_start3A_587 = tpu.memref_squeeze %dma_start3A_586 : memref<1x64x128xf32, #tpu.memory_space<vmem>> -> memref<64x128xf32, #tpu.memory_space<vmem>>
    %dma_start3A_588 = arith.constant 0 : i32
    %dma_start3A_589 = tpu.memref_slice %arg6[%add3A_582, %dma_start3A_588] : memref<16384x128xf32, #tpu.memory_space<hbm>> -> memref<64x128xf32, #tpu.memory_space<hbm>>
    %dma_start3A_590 = arith.constant 0 : i32
    %dma_start3A_591 = tpu.memref_slice %arg6[%add3A_582, %dma_start3A_590] : memref<16384x128xf32, #tpu.memory_space<hbm>> -> memref<64x128xf32, #tpu.memory_space<hbm>>
    %dma_start3A_592 = arith.constant 0 : i32
    %dma_start3A_593 = arith.constant 0 : i32
    %dma_start3A_594 = tpu.memref_slice %arg8[%dma_start3A_583, %dma_start3A_592, %dma_start3A_593] : memref<8x64x128xf32, #tpu.memory_space<vmem>> -> memref<1x64x128xf32, #tpu.memory_space<vmem>>
    %dma_start3A_595 = tpu.memref_squeeze %dma_start3A_594 : memref<1x64x128xf32, #tpu.memory_space<vmem>> -> memref<64x128xf32, #tpu.memory_space<vmem>>
    tpu.enqueue_dma source(%dma_start3A_595 : memref<64x128xf32, #tpu.memory_space<vmem>>) target(%dma_start3A_591 : memref<64x128xf32, #tpu.memory_space<hbm>>) target_semaphore(%arg19 : memref<!tpu.dma_semaphore, #tpu.memory_space<semaphore_mem>>)
    %dma_wait3A_596 = arith.constant 3 : i32
    %dma_wait3A_597 = arith.constant 3 : i32
    %dma_wait3A_598 = arith.constant 0 : i32
    %dma_wait3A_599 = arith.constant 0 : i32
    %dma_wait3A_600 = tpu.memref_slice %arg8[%dma_wait3A_597, %dma_wait3A_598, %dma_wait3A_599] : memref<8x64x128xf32, #tpu.memory_space<vmem>> -> memref<1x64x128xf32, #tpu.memory_space<vmem>>
    %dma_wait3A_601 = tpu.memref_squeeze %dma_wait3A_600 : memref<1x64x128xf32, #tpu.memory_space<vmem>> -> memref<64x128xf32, #tpu.memory_space<vmem>>
    %dma_wait3A_602 = arith.constant 0 : i32
    %dma_wait3A_603 = tpu.memref_slice %arg7[%dma_wait3A_596, %dma_wait3A_602] : memref<8x64xi32, #tpu.memory_space<vmem>> -> memref<1x64xi32, #tpu.memory_space<vmem>>
    %dma_wait3A_604 = tpu.memref_squeeze %dma_wait3A_603 : memref<1x64xi32, #tpu.memory_space<vmem>> -> memref<64xi32, #tpu.memory_space<vmem>>
    %dma_wait3A_605 = arith.constant 0 : i32
    %dma_wait3A_606 = arith.constant 0 : i32
    %dma_wait3A_607 = tpu.memref_slice %arg4[%dma_wait3A_605, %dma_wait3A_606] : memref<100000x128xf32, #tpu.memory_space<hbm>> -> memref<100000x128xf32, #tpu.memory_space<hbm>>
    tpu.wait_indirect_dma semaphore(%arg12 : memref<!tpu.dma_semaphore, #tpu.memory_space<semaphore_mem>>) src(%dma_wait3A_607 : memref<100000x128xf32, #tpu.memory_space<hbm>>) dst(%dma_wait3A_601 : memref<64x128xf32, #tpu.memory_space<vmem>>)
    %add3A_608 = arith.constant 192 : i32
    %add3A_609 = arith.addi %mul3A_2, %add3A_608 : i32
    %dma_start3A_610 = arith.constant 3 : i32
    %dma_start3A_611 = arith.constant 0 : i32
    %dma_start3A_612 = arith.constant 0 : i32
    %dma_start3A_613 = tpu.memref_slice %arg8[%dma_start3A_610, %dma_start3A_611, %dma_start3A_612] : memref<8x64x128xf32, #tpu.memory_space<vmem>> -> memref<1x64x128xf32, #tpu.memory_space<vmem>>
    %dma_start3A_614 = tpu.memref_squeeze %dma_start3A_613 : memref<1x64x128xf32, #tpu.memory_space<vmem>> -> memref<64x128xf32, #tpu.memory_space<vmem>>
    %dma_start3A_615 = arith.constant 0 : i32
    %dma_start3A_616 = tpu.memref_slice %arg6[%add3A_609, %dma_start3A_615] : memref<16384x128xf32, #tpu.memory_space<hbm>> -> memref<64x128xf32, #tpu.memory_space<hbm>>
    %dma_start3A_617 = arith.constant 0 : i32
    %dma_start3A_618 = tpu.memref_slice %arg6[%add3A_609, %dma_start3A_617] : memref<16384x128xf32, #tpu.memory_space<hbm>> -> memref<64x128xf32, #tpu.memory_space<hbm>>
    %dma_start3A_619 = arith.constant 0 : i32
    %dma_start3A_620 = arith.constant 0 : i32
    %dma_start3A_621 = tpu.memref_slice %arg8[%dma_start3A_610, %dma_start3A_619, %dma_start3A_620] : memref<8x64x128xf32, #tpu.memory_space<vmem>> -> memref<1x64x128xf32, #tpu.memory_space<vmem>>
    %dma_start3A_622 = tpu.memref_squeeze %dma_start3A_621 : memref<1x64x128xf32, #tpu.memory_space<vmem>> -> memref<64x128xf32, #tpu.memory_space<vmem>>
    tpu.enqueue_dma source(%dma_start3A_622 : memref<64x128xf32, #tpu.memory_space<vmem>>) target(%dma_start3A_618 : memref<64x128xf32, #tpu.memory_space<hbm>>) target_semaphore(%arg20 : memref<!tpu.dma_semaphore, #tpu.memory_space<semaphore_mem>>)
    %dma_wait3A_623 = arith.constant 4 : i32
    %dma_wait3A_624 = arith.constant 4 : i32
    %dma_wait3A_625 = arith.constant 0 : i32
    %dma_wait3A_626 = arith.constant 0 : i32
    %dma_wait3A_627 = tpu.memref_slice %arg8[%dma_wait3A_624, %dma_wait3A_625, %dma_wait3A_626] : memref<8x64x128xf32, #tpu.memory_space<vmem>> -> memref<1x64x128xf32, #tpu.memory_space<vmem>>
    %dma_wait3A_628 = tpu.memref_squeeze %dma_wait3A_627 : memref<1x64x128xf32, #tpu.memory_space<vmem>> -> memref<64x128xf32, #tpu.memory_space<vmem>>
    %dma_wait3A_629 = arith.constant 0 : i32
    %dma_wait3A_630 = tpu.memref_slice %arg7[%dma_wait3A_623, %dma_wait3A_629] : memref<8x64xi32, #tpu.memory_space<vmem>> -> memref<1x64xi32, #tpu.memory_space<vmem>>
    %dma_wait3A_631 = tpu.memref_squeeze %dma_wait3A_630 : memref<1x64xi32, #tpu.memory_space<vmem>> -> memref<64xi32, #tpu.memory_space<vmem>>
    %dma_wait3A_632 = arith.constant 0 : i32
    %dma_wait3A_633 = arith.constant 0 : i32
    %dma_wait3A_634 = tpu.memref_slice %arg4[%dma_wait3A_632, %dma_wait3A_633] : memref<100000x128xf32, #tpu.memory_space<hbm>> -> memref<100000x128xf32, #tpu.memory_space<hbm>>
    tpu.wait_indirect_dma semaphore(%arg13 : memref<!tpu.dma_semaphore, #tpu.memory_space<semaphore_mem>>) src(%dma_wait3A_634 : memref<100000x128xf32, #tpu.memory_space<hbm>>) dst(%dma_wait3A_628 : memref<64x128xf32, #tpu.memory_space<vmem>>)
    %add3A_635 = arith.constant 256 : i32
    %add3A_636 = arith.addi %mul3A_2, %add3A_635 : i32
    %dma_start3A_637 = arith.constant 4 : i32
    %dma_start3A_638 = arith.constant 0 : i32
    %dma_start3A_639 = arith.constant 0 : i32
    %dma_start3A_640 = tpu.memref_slice %arg8[%dma_start3A_637, %dma_start3A_638, %dma_start3A_639] : memref<8x64x128xf32, #tpu.memory_space<vmem>> -> memref<1x64x128xf32, #tpu.memory_space<vmem>>
    %dma_start3A_641 = tpu.memref_squeeze %dma_start3A_640 : memref<1x64x128xf32, #tpu.memory_space<vmem>> -> memref<64x128xf32, #tpu.memory_space<vmem>>
    %dma_start3A_642 = arith.constant 0 : i32
    %dma_start3A_643 = tpu.memref_slice %arg6[%add3A_636, %dma_start3A_642] : memref<16384x128xf32, #tpu.memory_space<hbm>> -> memref<64x128xf32, #tpu.memory_space<hbm>>
    %dma_start3A_644 = arith.constant 0 : i32
    %dma_start3A_645 = tpu.memref_slice %arg6[%add3A_636, %dma_start3A_644] : memref<16384x128xf32, #tpu.memory_space<hbm>> -> memref<64x128xf32, #tpu.memory_space<hbm>>
    %dma_start3A_646 = arith.constant 0 : i32
    %dma_start3A_647 = arith.constant 0 : i32
    %dma_start3A_648 = tpu.memref_slice %arg8[%dma_start3A_637, %dma_start3A_646, %dma_start3A_647] : memref<8x64x128xf32, #tpu.memory_space<vmem>> -> memref<1x64x128xf32, #tpu.memory_space<vmem>>
    %dma_start3A_649 = tpu.memref_squeeze %dma_start3A_648 : memref<1x64x128xf32, #tpu.memory_space<vmem>> -> memref<64x128xf32, #tpu.memory_space<vmem>>
    tpu.enqueue_dma source(%dma_start3A_649 : memref<64x128xf32, #tpu.memory_space<vmem>>) target(%dma_start3A_645 : memref<64x128xf32, #tpu.memory_space<hbm>>) target_semaphore(%arg21 : memref<!tpu.dma_semaphore, #tpu.memory_space<semaphore_mem>>)
    %dma_wait3A_650 = arith.constant 5 : i32
    %dma_wait3A_651 = arith.constant 5 : i32
    %dma_wait3A_652 = arith.constant 0 : i32
    %dma_wait3A_653 = arith.constant 0 : i32
    %dma_wait3A_654 = tpu.memref_slice %arg8[%dma_wait3A_651, %dma_wait3A_652, %dma_wait3A_653] : memref<8x64x128xf32, #tpu.memory_space<vmem>> -> memref<1x64x128xf32, #tpu.memory_space<vmem>>
    %dma_wait3A_655 = tpu.memref_squeeze %dma_wait3A_654 : memref<1x64x128xf32, #tpu.memory_space<vmem>> -> memref<64x128xf32, #tpu.memory_space<vmem>>
    %dma_wait3A_656 = arith.constant 0 : i32
    %dma_wait3A_657 = tpu.memref_slice %arg7[%dma_wait3A_650, %dma_wait3A_656] : memref<8x64xi32, #tpu.memory_space<vmem>> -> memref<1x64xi32, #tpu.memory_space<vmem>>
    %dma_wait3A_658 = tpu.memref_squeeze %dma_wait3A_657 : memref<1x64xi32, #tpu.memory_space<vmem>> -> memref<64xi32, #tpu.memory_space<vmem>>
    %dma_wait3A_659 = arith.constant 0 : i32
    %dma_wait3A_660 = arith.constant 0 : i32
    %dma_wait3A_661 = tpu.memref_slice %arg4[%dma_wait3A_659, %dma_wait3A_660] : memref<100000x128xf32, #tpu.memory_space<hbm>> -> memref<100000x128xf32, #tpu.memory_space<hbm>>
    tpu.wait_indirect_dma semaphore(%arg14 : memref<!tpu.dma_semaphore, #tpu.memory_space<semaphore_mem>>) src(%dma_wait3A_661 : memref<100000x128xf32, #tpu.memory_space<hbm>>) dst(%dma_wait3A_655 : memref<64x128xf32, #tpu.memory_space<vmem>>)
    %add3A_662 = arith.constant 320 : i32
    %add3A_663 = arith.addi %mul3A_2, %add3A_662 : i32
    %dma_start3A_664 = arith.constant 5 : i32
    %dma_start3A_665 = arith.constant 0 : i32
    %dma_start3A_666 = arith.constant 0 : i32
    %dma_start3A_667 = tpu.memref_slice %arg8[%dma_start3A_664, %dma_start3A_665, %dma_start3A_666] : memref<8x64x128xf32, #tpu.memory_space<vmem>> -> memref<1x64x128xf32, #tpu.memory_space<vmem>>
    %dma_start3A_668 = tpu.memref_squeeze %dma_start3A_667 : memref<1x64x128xf32, #tpu.memory_space<vmem>> -> memref<64x128xf32, #tpu.memory_space<vmem>>
    %dma_start3A_669 = arith.constant 0 : i32
    %dma_start3A_670 = tpu.memref_slice %arg6[%add3A_663, %dma_start3A_669] : memref<16384x128xf32, #tpu.memory_space<hbm>> -> memref<64x128xf32, #tpu.memory_space<hbm>>
    %dma_start3A_671 = arith.constant 0 : i32
    %dma_start3A_672 = tpu.memref_slice %arg6[%add3A_663, %dma_start3A_671] : memref<16384x128xf32, #tpu.memory_space<hbm>> -> memref<64x128xf32, #tpu.memory_space<hbm>>
    %dma_start3A_673 = arith.constant 0 : i32
    %dma_start3A_674 = arith.constant 0 : i32
    %dma_start3A_675 = tpu.memref_slice %arg8[%dma_start3A_664, %dma_start3A_673, %dma_start3A_674] : memref<8x64x128xf32, #tpu.memory_space<vmem>> -> memref<1x64x128xf32, #tpu.memory_space<vmem>>
    %dma_start3A_676 = tpu.memref_squeeze %dma_start3A_675 : memref<1x64x128xf32, #tpu.memory_space<vmem>> -> memref<64x128xf32, #tpu.memory_space<vmem>>
    tpu.enqueue_dma source(%dma_start3A_676 : memref<64x128xf32, #tpu.memory_space<vmem>>) target(%dma_start3A_672 : memref<64x128xf32, #tpu.memory_space<hbm>>) target_semaphore(%arg22 : memref<!tpu.dma_semaphore, #tpu.memory_space<semaphore_mem>>)
    %dma_wait3A_677 = arith.constant 6 : i32
    %dma_wait3A_678 = arith.constant 6 : i32
    %dma_wait3A_679 = arith.constant 0 : i32
    %dma_wait3A_680 = arith.constant 0 : i32
    %dma_wait3A_681 = tpu.memref_slice %arg8[%dma_wait3A_678, %dma_wait3A_679, %dma_wait3A_680] : memref<8x64x128xf32, #tpu.memory_space<vmem>> -> memref<1x64x128xf32, #tpu.memory_space<vmem>>
    %dma_wait3A_682 = tpu.memref_squeeze %dma_wait3A_681 : memref<1x64x128xf32, #tpu.memory_space<vmem>> -> memref<64x128xf32, #tpu.memory_space<vmem>>
    %dma_wait3A_683 = arith.constant 0 : i32
    %dma_wait3A_684 = tpu.memref_slice %arg7[%dma_wait3A_677, %dma_wait3A_683] : memref<8x64xi32, #tpu.memory_space<vmem>> -> memref<1x64xi32, #tpu.memory_space<vmem>>
    %dma_wait3A_685 = tpu.memref_squeeze %dma_wait3A_684 : memref<1x64xi32, #tpu.memory_space<vmem>> -> memref<64xi32, #tpu.memory_space<vmem>>
    %dma_wait3A_686 = arith.constant 0 : i32
    %dma_wait3A_687 = arith.constant 0 : i32
    %dma_wait3A_688 = tpu.memref_slice %arg4[%dma_wait3A_686, %dma_wait3A_687] : memref<100000x128xf32, #tpu.memory_space<hbm>> -> memref<100000x128xf32, #tpu.memory_space<hbm>>
    tpu.wait_indirect_dma semaphore(%arg15 : memref<!tpu.dma_semaphore, #tpu.memory_space<semaphore_mem>>) src(%dma_wait3A_688 : memref<100000x128xf32, #tpu.memory_space<hbm>>) dst(%dma_wait3A_682 : memref<64x128xf32, #tpu.memory_space<vmem>>)
    %add3A_689 = arith.constant 384 : i32
    %add3A_690 = arith.addi %mul3A_2, %add3A_689 : i32
    %dma_start3A_691 = arith.constant 6 : i32
    %dma_start3A_692 = arith.constant 0 : i32
    %dma_start3A_693 = arith.constant 0 : i32
    %dma_start3A_694 = tpu.memref_slice %arg8[%dma_start3A_691, %dma_start3A_692, %dma_start3A_693] : memref<8x64x128xf32, #tpu.memory_space<vmem>> -> memref<1x64x128xf32, #tpu.memory_space<vmem>>
    %dma_start3A_695 = tpu.memref_squeeze %dma_start3A_694 : memref<1x64x128xf32, #tpu.memory_space<vmem>> -> memref<64x128xf32, #tpu.memory_space<vmem>>
    %dma_start3A_696 = arith.constant 0 : i32
    %dma_start3A_697 = tpu.memref_slice %arg6[%add3A_690, %dma_start3A_696] : memref<16384x128xf32, #tpu.memory_space<hbm>> -> memref<64x128xf32, #tpu.memory_space<hbm>>
    %dma_start3A_698 = arith.constant 0 : i32
    %dma_start3A_699 = tpu.memref_slice %arg6[%add3A_690, %dma_start3A_698] : memref<16384x128xf32, #tpu.memory_space<hbm>> -> memref<64x128xf32, #tpu.memory_space<hbm>>
    %dma_start3A_700 = arith.constant 0 : i32
    %dma_start3A_701 = arith.constant 0 : i32
    %dma_start3A_702 = tpu.memref_slice %arg8[%dma_start3A_691, %dma_start3A_700, %dma_start3A_701] : memref<8x64x128xf32, #tpu.memory_space<vmem>> -> memref<1x64x128xf32, #tpu.memory_space<vmem>>
    %dma_start3A_703 = tpu.memref_squeeze %dma_start3A_702 : memref<1x64x128xf32, #tpu.memory_space<vmem>> -> memref<64x128xf32, #tpu.memory_space<vmem>>
    tpu.enqueue_dma source(%dma_start3A_703 : memref<64x128xf32, #tpu.memory_space<vmem>>) target(%dma_start3A_699 : memref<64x128xf32, #tpu.memory_space<hbm>>) target_semaphore(%arg23 : memref<!tpu.dma_semaphore, #tpu.memory_space<semaphore_mem>>)
    %dma_wait3A_704 = arith.constant 7 : i32
    %dma_wait3A_705 = arith.constant 7 : i32
    %dma_wait3A_706 = arith.constant 0 : i32
    %dma_wait3A_707 = arith.constant 0 : i32
    %dma_wait3A_708 = tpu.memref_slice %arg8[%dma_wait3A_705, %dma_wait3A_706, %dma_wait3A_707] : memref<8x64x128xf32, #tpu.memory_space<vmem>> -> memref<1x64x128xf32, #tpu.memory_space<vmem>>
    %dma_wait3A_709 = tpu.memref_squeeze %dma_wait3A_708 : memref<1x64x128xf32, #tpu.memory_space<vmem>> -> memref<64x128xf32, #tpu.memory_space<vmem>>
    %dma_wait3A_710 = arith.constant 0 : i32
    %dma_wait3A_711 = tpu.memref_slice %arg7[%dma_wait3A_704, %dma_wait3A_710] : memref<8x64xi32, #tpu.memory_space<vmem>> -> memref<1x64xi32, #tpu.memory_space<vmem>>
    %dma_wait3A_712 = tpu.memref_squeeze %dma_wait3A_711 : memref<1x64xi32, #tpu.memory_space<vmem>> -> memref<64xi32, #tpu.memory_space<vmem>>
    %dma_wait3A_713 = arith.constant 0 : i32
    %dma_wait3A_714 = arith.constant 0 : i32
    %dma_wait3A_715 = tpu.memref_slice %arg4[%dma_wait3A_713, %dma_wait3A_714] : memref<100000x128xf32, #tpu.memory_space<hbm>> -> memref<100000x128xf32, #tpu.memory_space<hbm>>
    tpu.wait_indirect_dma semaphore(%arg16 : memref<!tpu.dma_semaphore, #tpu.memory_space<semaphore_mem>>) src(%dma_wait3A_715 : memref<100000x128xf32, #tpu.memory_space<hbm>>) dst(%dma_wait3A_709 : memref<64x128xf32, #tpu.memory_space<vmem>>)
    %add3A_716 = arith.constant 448 : i32
    %add3A_717 = arith.addi %mul3A_2, %add3A_716 : i32
    %dma_start3A_718 = arith.constant 7 : i32
    %dma_start3A_719 = arith.constant 0 : i32
    %dma_start3A_720 = arith.constant 0 : i32
    %dma_start3A_721 = tpu.memref_slice %arg8[%dma_start3A_718, %dma_start3A_719, %dma_start3A_720] : memref<8x64x128xf32, #tpu.memory_space<vmem>> -> memref<1x64x128xf32, #tpu.memory_space<vmem>>
    %dma_start3A_722 = tpu.memref_squeeze %dma_start3A_721 : memref<1x64x128xf32, #tpu.memory_space<vmem>> -> memref<64x128xf32, #tpu.memory_space<vmem>>
    %dma_start3A_723 = arith.constant 0 : i32
    %dma_start3A_724 = tpu.memref_slice %arg6[%add3A_717, %dma_start3A_723] : memref<16384x128xf32, #tpu.memory_space<hbm>> -> memref<64x128xf32, #tpu.memory_space<hbm>>
    %dma_start3A_725 = arith.constant 0 : i32
    %dma_start3A_726 = tpu.memref_slice %arg6[%add3A_717, %dma_start3A_725] : memref<16384x128xf32, #tpu.memory_space<hbm>> -> memref<64x128xf32, #tpu.memory_space<hbm>>
    %dma_start3A_727 = arith.constant 0 : i32
    %dma_start3A_728 = arith.constant 0 : i32
    %dma_start3A_729 = tpu.memref_slice %arg8[%dma_start3A_718, %dma_start3A_727, %dma_start3A_728] : memref<8x64x128xf32, #tpu.memory_space<vmem>> -> memref<1x64x128xf32, #tpu.memory_space<vmem>>
    %dma_start3A_730 = tpu.memref_squeeze %dma_start3A_729 : memref<1x64x128xf32, #tpu.memory_space<vmem>> -> memref<64x128xf32, #tpu.memory_space<vmem>>
    tpu.enqueue_dma source(%dma_start3A_730 : memref<64x128xf32, #tpu.memory_space<vmem>>) target(%dma_start3A_726 : memref<64x128xf32, #tpu.memory_space<hbm>>) target_semaphore(%arg24 : memref<!tpu.dma_semaphore, #tpu.memory_space<semaphore_mem>>)
    %dma_wait3A_731 = arith.constant 0 : i32
    %dma_wait3A_732 = arith.constant 0 : i32
    %dma_wait3A_733 = arith.constant 0 : i32
    %dma_wait3A_734 = tpu.memref_slice %arg8[%dma_wait3A_731, %dma_wait3A_732, %dma_wait3A_733] : memref<8x64x128xf32, #tpu.memory_space<vmem>> -> memref<1x64x128xf32, #tpu.memory_space<vmem>>
    %dma_wait3A_735 = tpu.memref_squeeze %dma_wait3A_734 : memref<1x64x128xf32, #tpu.memory_space<vmem>> -> memref<64x128xf32, #tpu.memory_space<vmem>>
    %dma_wait3A_736 = arith.constant 0 : i32
    %dma_wait3A_737 = tpu.memref_slice %arg6[%add3A_503, %dma_wait3A_736] : memref<16384x128xf32, #tpu.memory_space<hbm>> -> memref<64x128xf32, #tpu.memory_space<hbm>>
    %dma_wait3A_738 = arith.constant 0 : i32
    %dma_wait3A_739 = tpu.memref_slice %arg6[%add3A_503, %dma_wait3A_738] : memref<16384x128xf32, #tpu.memory_space<hbm>> -> memref<64x128xf32, #tpu.memory_space<hbm>>
    %dma_wait3A_740 = arith.constant 0 : i32
    %dma_wait3A_741 = arith.constant 0 : i32
    %dma_wait3A_742 = tpu.memref_slice %arg8[%dma_wait3A_731, %dma_wait3A_740, %dma_wait3A_741] : memref<8x64x128xf32, #tpu.memory_space<vmem>> -> memref<1x64x128xf32, #tpu.memory_space<vmem>>
    %dma_wait3A_743 = tpu.memref_squeeze %dma_wait3A_742 : memref<1x64x128xf32, #tpu.memory_space<vmem>> -> memref<64x128xf32, #tpu.memory_space<vmem>>
    tpu.wait_dma2 semaphore(%arg17 : memref<!tpu.dma_semaphore, #tpu.memory_space<semaphore_mem>>) src(%dma_wait3A_743 : memref<64x128xf32, #tpu.memory_space<vmem>>) dst(%dma_wait3A_739 : memref<64x128xf32, #tpu.memory_space<hbm>>)
    %dma_wait3A_744 = arith.constant 1 : i32
    %dma_wait3A_745 = arith.constant 0 : i32
    %dma_wait3A_746 = arith.constant 0 : i32
    %dma_wait3A_747 = tpu.memref_slice %arg8[%dma_wait3A_744, %dma_wait3A_745, %dma_wait3A_746] : memref<8x64x128xf32, #tpu.memory_space<vmem>> -> memref<1x64x128xf32, #tpu.memory_space<vmem>>
    %dma_wait3A_748 = tpu.memref_squeeze %dma_wait3A_747 : memref<1x64x128xf32, #tpu.memory_space<vmem>> -> memref<64x128xf32, #tpu.memory_space<vmem>>
    %dma_wait3A_749 = arith.constant 0 : i32
    %dma_wait3A_750 = tpu.memref_slice %arg6[%add3A_555, %dma_wait3A_749] : memref<16384x128xf32, #tpu.memory_space<hbm>> -> memref<64x128xf32, #tpu.memory_space<hbm>>
    %dma_wait3A_751 = arith.constant 0 : i32
    %dma_wait3A_752 = tpu.memref_slice %arg6[%add3A_555, %dma_wait3A_751] : memref<16384x128xf32, #tpu.memory_space<hbm>> -> memref<64x128xf32, #tpu.memory_space<hbm>>
    %dma_wait3A_753 = arith.constant 0 : i32
    %dma_wait3A_754 = arith.constant 0 : i32
    %dma_wait3A_755 = tpu.memref_slice %arg8[%dma_wait3A_744, %dma_wait3A_753, %dma_wait3A_754] : memref<8x64x128xf32, #tpu.memory_space<vmem>> -> memref<1x64x128xf32, #tpu.memory_space<vmem>>
    %dma_wait3A_756 = tpu.memref_squeeze %dma_wait3A_755 : memref<1x64x128xf32, #tpu.memory_space<vmem>> -> memref<64x128xf32, #tpu.memory_space<vmem>>
    tpu.wait_dma2 semaphore(%arg18 : memref<!tpu.dma_semaphore, #tpu.memory_space<semaphore_mem>>) src(%dma_wait3A_756 : memref<64x128xf32, #tpu.memory_space<vmem>>) dst(%dma_wait3A_752 : memref<64x128xf32, #tpu.memory_space<hbm>>)
    %dma_wait3A_757 = arith.constant 2 : i32
    %dma_wait3A_758 = arith.constant 0 : i32
    %dma_wait3A_759 = arith.constant 0 : i32
    %dma_wait3A_760 = tpu.memref_slice %arg8[%dma_wait3A_757, %dma_wait3A_758, %dma_wait3A_759] : memref<8x64x128xf32, #tpu.memory_space<vmem>> -> memref<1x64x128xf32, #tpu.memory_space<vmem>>
    %dma_wait3A_761 = tpu.memref_squeeze %dma_wait3A_760 : memref<1x64x128xf32, #tpu.memory_space<vmem>> -> memref<64x128xf32, #tpu.memory_space<vmem>>
    %dma_wait3A_762 = arith.constant 0 : i32
    %dma_wait3A_763 = tpu.memref_slice %arg6[%add3A_582, %dma_wait3A_762] : memref<16384x128xf32, #tpu.memory_space<hbm>> -> memref<64x128xf32, #tpu.memory_space<hbm>>
    %dma_wait3A_764 = arith.constant 0 : i32
    %dma_wait3A_765 = tpu.memref_slice %arg6[%add3A_582, %dma_wait3A_764] : memref<16384x128xf32, #tpu.memory_space<hbm>> -> memref<64x128xf32, #tpu.memory_space<hbm>>
    %dma_wait3A_766 = arith.constant 0 : i32
    %dma_wait3A_767 = arith.constant 0 : i32
    %dma_wait3A_768 = tpu.memref_slice %arg8[%dma_wait3A_757, %dma_wait3A_766, %dma_wait3A_767] : memref<8x64x128xf32, #tpu.memory_space<vmem>> -> memref<1x64x128xf32, #tpu.memory_space<vmem>>
    %dma_wait3A_769 = tpu.memref_squeeze %dma_wait3A_768 : memref<1x64x128xf32, #tpu.memory_space<vmem>> -> memref<64x128xf32, #tpu.memory_space<vmem>>
    tpu.wait_dma2 semaphore(%arg19 : memref<!tpu.dma_semaphore, #tpu.memory_space<semaphore_mem>>) src(%dma_wait3A_769 : memref<64x128xf32, #tpu.memory_space<vmem>>) dst(%dma_wait3A_765 : memref<64x128xf32, #tpu.memory_space<hbm>>)
    %dma_wait3A_770 = arith.constant 3 : i32
    %dma_wait3A_771 = arith.constant 0 : i32
    %dma_wait3A_772 = arith.constant 0 : i32
    %dma_wait3A_773 = tpu.memref_slice %arg8[%dma_wait3A_770, %dma_wait3A_771, %dma_wait3A_772] : memref<8x64x128xf32, #tpu.memory_space<vmem>> -> memref<1x64x128xf32, #tpu.memory_space<vmem>>
    %dma_wait3A_774 = tpu.memref_squeeze %dma_wait3A_773 : memref<1x64x128xf32, #tpu.memory_space<vmem>> -> memref<64x128xf32, #tpu.memory_space<vmem>>
    %dma_wait3A_775 = arith.constant 0 : i32
    %dma_wait3A_776 = tpu.memref_slice %arg6[%add3A_609, %dma_wait3A_775] : memref<16384x128xf32, #tpu.memory_space<hbm>> -> memref<64x128xf32, #tpu.memory_space<hbm>>
    %dma_wait3A_777 = arith.constant 0 : i32
    %dma_wait3A_778 = tpu.memref_slice %arg6[%add3A_609, %dma_wait3A_777] : memref<16384x128xf32, #tpu.memory_space<hbm>> -> memref<64x128xf32, #tpu.memory_space<hbm>>
    %dma_wait3A_779 = arith.constant 0 : i32
    %dma_wait3A_780 = arith.constant 0 : i32
    %dma_wait3A_781 = tpu.memref_slice %arg8[%dma_wait3A_770, %dma_wait3A_779, %dma_wait3A_780] : memref<8x64x128xf32, #tpu.memory_space<vmem>> -> memref<1x64x128xf32, #tpu.memory_space<vmem>>
    %dma_wait3A_782 = tpu.memref_squeeze %dma_wait3A_781 : memref<1x64x128xf32, #tpu.memory_space<vmem>> -> memref<64x128xf32, #tpu.memory_space<vmem>>
    tpu.wait_dma2 semaphore(%arg20 : memref<!tpu.dma_semaphore, #tpu.memory_space<semaphore_mem>>) src(%dma_wait3A_782 : memref<64x128xf32, #tpu.memory_space<vmem>>) dst(%dma_wait3A_778 : memref<64x128xf32, #tpu.memory_space<hbm>>)
    %dma_wait3A_783 = arith.constant 4 : i32
    %dma_wait3A_784 = arith.constant 0 : i32
    %dma_wait3A_785 = arith.constant 0 : i32
    %dma_wait3A_786 = tpu.memref_slice %arg8[%dma_wait3A_783, %dma_wait3A_784, %dma_wait3A_785] : memref<8x64x128xf32, #tpu.memory_space<vmem>> -> memref<1x64x128xf32, #tpu.memory_space<vmem>>
    %dma_wait3A_787 = tpu.memref_squeeze %dma_wait3A_786 : memref<1x64x128xf32, #tpu.memory_space<vmem>> -> memref<64x128xf32, #tpu.memory_space<vmem>>
    %dma_wait3A_788 = arith.constant 0 : i32
    %dma_wait3A_789 = tpu.memref_slice %arg6[%add3A_636, %dma_wait3A_788] : memref<16384x128xf32, #tpu.memory_space<hbm>> -> memref<64x128xf32, #tpu.memory_space<hbm>>
    %dma_wait3A_790 = arith.constant 0 : i32
    %dma_wait3A_791 = tpu.memref_slice %arg6[%add3A_636, %dma_wait3A_790] : memref<16384x128xf32, #tpu.memory_space<hbm>> -> memref<64x128xf32, #tpu.memory_space<hbm>>
    %dma_wait3A_792 = arith.constant 0 : i32
    %dma_wait3A_793 = arith.constant 0 : i32
    %dma_wait3A_794 = tpu.memref_slice %arg8[%dma_wait3A_783, %dma_wait3A_792, %dma_wait3A_793] : memref<8x64x128xf32, #tpu.memory_space<vmem>> -> memref<1x64x128xf32, #tpu.memory_space<vmem>>
    %dma_wait3A_795 = tpu.memref_squeeze %dma_wait3A_794 : memref<1x64x128xf32, #tpu.memory_space<vmem>> -> memref<64x128xf32, #tpu.memory_space<vmem>>
    tpu.wait_dma2 semaphore(%arg21 : memref<!tpu.dma_semaphore, #tpu.memory_space<semaphore_mem>>) src(%dma_wait3A_795 : memref<64x128xf32, #tpu.memory_space<vmem>>) dst(%dma_wait3A_791 : memref<64x128xf32, #tpu.memory_space<hbm>>)
    %dma_wait3A_796 = arith.constant 5 : i32
    %dma_wait3A_797 = arith.constant 0 : i32
    %dma_wait3A_798 = arith.constant 0 : i32
    %dma_wait3A_799 = tpu.memref_slice %arg8[%dma_wait3A_796, %dma_wait3A_797, %dma_wait3A_798] : memref<8x64x128xf32, #tpu.memory_space<vmem>> -> memref<1x64x128xf32, #tpu.memory_space<vmem>>
    %dma_wait3A_800 = tpu.memref_squeeze %dma_wait3A_799 : memref<1x64x128xf32, #tpu.memory_space<vmem>> -> memref<64x128xf32, #tpu.memory_space<vmem>>
    %dma_wait3A_801 = arith.constant 0 : i32
    %dma_wait3A_802 = tpu.memref_slice %arg6[%add3A_663, %dma_wait3A_801] : memref<16384x128xf32, #tpu.memory_space<hbm>> -> memref<64x128xf32, #tpu.memory_space<hbm>>
    %dma_wait3A_803 = arith.constant 0 : i32
    %dma_wait3A_804 = tpu.memref_slice %arg6[%add3A_663, %dma_wait3A_803] : memref<16384x128xf32, #tpu.memory_space<hbm>> -> memref<64x128xf32, #tpu.memory_space<hbm>>
    %dma_wait3A_805 = arith.constant 0 : i32
    %dma_wait3A_806 = arith.constant 0 : i32
    %dma_wait3A_807 = tpu.memref_slice %arg8[%dma_wait3A_796, %dma_wait3A_805, %dma_wait3A_806] : memref<8x64x128xf32, #tpu.memory_space<vmem>> -> memref<1x64x128xf32, #tpu.memory_space<vmem>>
    %dma_wait3A_808 = tpu.memref_squeeze %dma_wait3A_807 : memref<1x64x128xf32, #tpu.memory_space<vmem>> -> memref<64x128xf32, #tpu.memory_space<vmem>>
    tpu.wait_dma2 semaphore(%arg22 : memref<!tpu.dma_semaphore, #tpu.memory_space<semaphore_mem>>) src(%dma_wait3A_808 : memref<64x128xf32, #tpu.memory_space<vmem>>) dst(%dma_wait3A_804 : memref<64x128xf32, #tpu.memory_space<hbm>>)
    %dma_wait3A_809 = arith.constant 6 : i32
    %dma_wait3A_810 = arith.constant 0 : i32
    %dma_wait3A_811 = arith.constant 0 : i32
    %dma_wait3A_812 = tpu.memref_slice %arg8[%dma_wait3A_809, %dma_wait3A_810, %dma_wait3A_811] : memref<8x64x128xf32, #tpu.memory_space<vmem>> -> memref<1x64x128xf32, #tpu.memory_space<vmem>>
    %dma_wait3A_813 = tpu.memref_squeeze %dma_wait3A_812 : memref<1x64x128xf32, #tpu.memory_space<vmem>> -> memref<64x128xf32, #tpu.memory_space<vmem>>
    %dma_wait3A_814 = arith.constant 0 : i32
    %dma_wait3A_815 = tpu.memref_slice %arg6[%add3A_690, %dma_wait3A_814] : memref<16384x128xf32, #tpu.memory_space<hbm>> -> memref<64x128xf32, #tpu.memory_space<hbm>>
    %dma_wait3A_816 = arith.constant 0 : i32
    %dma_wait3A_817 = tpu.memref_slice %arg6[%add3A_690, %dma_wait3A_816] : memref<16384x128xf32, #tpu.memory_space<hbm>> -> memref<64x128xf32, #tpu.memory_space<hbm>>
    %dma_wait3A_818 = arith.constant 0 : i32
    %dma_wait3A_819 = arith.constant 0 : i32
    %dma_wait3A_820 = tpu.memref_slice %arg8[%dma_wait3A_809, %dma_wait3A_818, %dma_wait3A_819] : memref<8x64x128xf32, #tpu.memory_space<vmem>> -> memref<1x64x128xf32, #tpu.memory_space<vmem>>
    %dma_wait3A_821 = tpu.memref_squeeze %dma_wait3A_820 : memref<1x64x128xf32, #tpu.memory_space<vmem>> -> memref<64x128xf32, #tpu.memory_space<vmem>>
    tpu.wait_dma2 semaphore(%arg23 : memref<!tpu.dma_semaphore, #tpu.memory_space<semaphore_mem>>) src(%dma_wait3A_821 : memref<64x128xf32, #tpu.memory_space<vmem>>) dst(%dma_wait3A_817 : memref<64x128xf32, #tpu.memory_space<hbm>>)
    %dma_wait3A_822 = arith.constant 7 : i32
    %dma_wait3A_823 = arith.constant 0 : i32
    %dma_wait3A_824 = arith.constant 0 : i32
    %dma_wait3A_825 = tpu.memref_slice %arg8[%dma_wait3A_822, %dma_wait3A_823, %dma_wait3A_824] : memref<8x64x128xf32, #tpu.memory_space<vmem>> -> memref<1x64x128xf32, #tpu.memory_space<vmem>>
    %dma_wait3A_826 = tpu.memref_squeeze %dma_wait3A_825 : memref<1x64x128xf32, #tpu.memory_space<vmem>> -> memref<64x128xf32, #tpu.memory_space<vmem>>
    %dma_wait3A_827 = arith.constant 0 : i32
    %dma_wait3A_828 = tpu.memref_slice %arg6[%add3A_717, %dma_wait3A_827] : memref<16384x128xf32, #tpu.memory_space<hbm>> -> memref<64x128xf32, #tpu.memory_space<hbm>>
    %dma_wait3A_829 = arith.constant 0 : i32
    %dma_wait3A_830 = tpu.memref_slice %arg6[%add3A_717, %dma_wait3A_829] : memref<16384x128xf32, #tpu.memory_space<hbm>> -> memref<64x128xf32, #tpu.memory_space<hbm>>
    %dma_wait3A_831 = arith.constant 0 : i32
    %dma_wait3A_832 = arith.constant 0 : i32
    %dma_wait3A_833 = tpu.memref_slice %arg8[%dma_wait3A_822, %dma_wait3A_831, %dma_wait3A_832] : memref<8x64x128xf32, #tpu.memory_space<vmem>> -> memref<1x64x128xf32, #tpu.memory_space<vmem>>
    %dma_wait3A_834 = tpu.memref_squeeze %dma_wait3A_833 : memref<1x64x128xf32, #tpu.memory_space<vmem>> -> memref<64x128xf32, #tpu.memory_space<vmem>>
    tpu.wait_dma2 semaphore(%arg24 : memref<!tpu.dma_semaphore, #tpu.memory_space<semaphore_mem>>) src(%dma_wait3A_834 : memref<64x128xf32, #tpu.memory_space<vmem>>) dst(%dma_wait3A_830 : memref<64x128xf32, #tpu.memory_space<hbm>>)
    return
  }
}

</mosaic_0001>

<sc_bundles>
// kernel: kernel.3.cloned.1.call-start
scs
__scs_entry_jumppad:
0x0: {  	(pc) =	sbr.rel $0x88, $3  }
0x1: {  	(tag) =	ssettag $0x0;
	lr =	simm.s32 $0x1  }
0x2: {  	[smem:$0x3F9E] =	sst lr;
	_ =	strace $0xD0000000  }
0x3: {  	_ = 	snop  }
0x4: {  	_ = 	snop  }
0x5: {  	_ = 	snop  }
0x6: {  	_ = 	snop  }
0x7: {  	_ = 	snop  }
__scs_overlays_trampoline_lowered:
0x8: {  	[smem:$0x3FAD] =	sst s0  }
0x9: {  	[smem:$0x3FAE] =	sst s1  }
0xa: {  	[smem:$0x3FAF] =	sst s2  }
0xb: {  	[smem:$0x3FB0] =	sst s3  }
0xc: {  	[smem:$0x3FB1] =	sst s4  }
0xd: {  	[smem:$0x3FB2] =	sst s5  }
0xe: {  	[smem:$0x3FB3] =	sst s6  }
0xf: {  	[smem:$0x3FB4] =	sst s7  }
0x10: {  	[smem:$0x3FB5] =	sst s8  }
0x11: {  	[smem:$0x3FB6] =	sst s9;
	s0 =	simm.s32 @!p0 $0x0  }
0x12: {  	s1 =	sld [smem:$0x3F9C];
	s0 =	simm.s32 @p0 $0x1  }
0x13: {  	[smem:$0x3FB7] =	sst s0;
	s0 =	simm.s32 @!p1 $0x0  }
0x14: {  	s2 =	sld [smem:$0x3F9B];
	s0 =	simm.s32 @p1 $0x1  }
0x15: {  	[smem:$0x3FB8] =	sst s0;
	s0 =	simm.s32 @!p2 $0x0  }
0x16: {  	s3 =	sld [smem:$0x3FDB];
	s0 =	simm.s32 @p2 $0x1  }
0x17: {  	s4 =	simm.s32 $0x1BF5;
	[smem:$0x3FBA] =	sst s0  }
0x18: {  	s0 =	sld [smem:$0x3F9D];
	_ =	swait.ge [sflag:s4], $0x0  }
0x19: {  	s7 =	sld [smem:$0x3F9E]  }
0x1a: {  	s8 =	sadd.s32 $0xFFFFE003, lr  }
0x1b: {  	s9 =	sadd.s32 $0xFFFFFEF7, lr;
	s5 =	simm.s32 $0xFFFFFFFF;
	p2 =	slt.u32 s8, $0xFFFFF086  }
0x1c: {  	p1 =	slt.u32 s9, $0xF7A;
	s5 =	simm.s32 @!p2 $0x0  }
0x1d: {  	s5 =	simm.s32 @p1 $0x1;
	p0 =	seq.s32 s7, s2  }
0x1e: {  	s7 =	smul.u32 @!p0 $0xF7A, s2;
	p2 =	seq.s32 @!p0 s5, $0x0  }
0x1f: {  	s9 =	smul.u32 $0xF7A, s1;
	s8 =	simm.s32 @!p0 $0x1BF5;
	p2 =	por !p2, p0  }
0x20: {  	[sflag:s8] =	ssyncset.s32 @!p0 $0xFFFFF086;
	s6 =	sadd.s32 @!p0 s3, s7;
	s7 =	simm.s32 @!p0 $0x108  }
0x21: {  	s3 =	sadd.s32 s3, s9;
	s6 =	sadd.s32 @!p0 $0x88, s6;
	s7 =	simm.s32 @p2 $0x1082  }
0x22: {  	[simem:s7], [sflag:s8] =	dma.local @!p0 [hbm:s6], $0xF7A  }
0x23: {  	s9 =	sor.u32 $0xD0000000, s2;
	s6 =	simm.s32 $0x108;
	_ =	swait.ge @!p0 [sflag:s8], $0x0  }
0x24: {  	s3 =	sadd.s32 $0x88, s3;
	s6 =	simm.s32 @!p1 $0x1082;
	[sflag:s4] =	ssyncset.s32 $0xFFFFF086  }
0x25: {  	[simem:s6], [sflag:s4] =	dma.local [hbm:s3], $0xF7A  }
0x26: {  	[smem:$0x3F9E] =	sst s1;
	(tag) =	ssettag s2;
	_ =	strace s9  }
0x27: {  	s1 =	sld [smem:$0x3FAE]  }
0x28: {  	s2 =	sld [smem:$0x3FAF]  }
0x29: {  	s4 =	sld [smem:$0x3FB1]  }
0x2a: {  	p0 =	seq.s32 s5, $0x0;
	s5 =	sld [smem:$0x3FB2]  }
0x2b: {  	s6 =	sld [smem:$0x3FB3]  }
0x2c: {  	s7 =	sld [smem:$0x3FB4]  }
0x2d: {  	s3 =	simm.s32 $0x108;
	s8 =	sld [smem:$0x3FB5]  }
0x2e: {  	s3 =	simm.s32 @!p0 $0x1082;
	s9 =	sld [smem:$0x3FB6]  }
0x2f: {  	lr =	sadd.s32 s0, s3;
	s0 =	sld [smem:$0x3FAD]  }
0x30: {  	s3 =	sld [smem:$0x3FB0]  }
0x31: {  	[smem:$0x3FB9] =	sst s10  }
0x32: {  	s10 =	sld [smem:$0x3FB7];
	_ =	sdelay $0x3  }
0x33: {  	p0 =	seq.s32 s10, $0x1;
	s10 =	sld [smem:$0x3FB9];
	_ =	sdelay $0x3  }
0x34: {  	[smem:$0x3FB9] =	sst s10  }
0x35: {  	s10 =	sld [smem:$0x3FB8];
	_ =	sdelay $0x3  }
0x36: {  	p1 =	seq.s32 s10, $0x1;
	s10 =	sld [smem:$0x3FB9];
	_ =	sdelay $0x3  }
0x37: {  	[smem:$0x3FB9] =	sst s10  }
0x38: {  	s10 =	sld [smem:$0x3FBA]  }
0x39: {  	_ = 	snop;
	(pc) =	sbr.ind lr, $3  }
0x3a: {  	_ = 	snop  }
0x3b: {  	_ = 	snop  }
0x3c: {  	p2 =	seq.s32 s10, $0x1;
	s10 =	sld [smem:$0x3FB9]  }
0x3d: {  	_ =	shalt  }
0x3e: {  	_ =	shalt  }
0x3f: {  	_ =	shalt  }
0x40: {  	_ =	shalt  }
0x41: {  	_ =	shalt  }
0x42: {  	_ =	shalt  }
0x43: {  	_ =	shalt  }
0x44: {  	_ =	shalt  }
0x45: {  	_ =	shalt  }
0x46: {  	_ =	shalt  }
0x47: {  	_ =	shalt  }
0x48: {  	_ =	shalt  }
0x49: {  	_ =	shalt  }
0x4a: {  	_ =	shalt  }
0x4b: {  	_ =	shalt  }
0x4c: {  	_ =	shalt  }
0x4d: {  	_ =	shalt  }
0x4e: {  	_ =	shalt  }
0x4f: {  	_ =	shalt  }
0x50: {  	_ =	shalt  }
0x51: {  	_ =	shalt  }
0x52: {  	_ =	shalt  }
0x53: {  	_ =	shalt  }
0x54: {  	_ =	shalt  }
0x55: {  	_ =	shalt  }
0x56: {  	_ =	shalt  }
0x57: {  	_ =	shalt  }
0x58: {  	_ =	shalt  }
0x59: {  	_ =	shalt  }
0x5a: {  	_ =	shalt  }
0x5b: {  	_ =	shalt  }
0x5c: {  	_ =	shalt  }
0x5d: {  	_ =	shalt  }
0x5e: {  	_ =	shalt  }
0x5f: {  	_ =	shalt  }
0x60: {  	_ =	shalt  }
0x61: {  	_ =	shalt  }
0x62: {  	_ =	shalt  }
0x63: {  	_ =	shalt  }
0x64: {  	_ =	shalt  }
0x65: {  	_ =	shalt  }
0x66: {  	_ =	shalt  }
0x67: {  	_ =	shalt  }
0x68: {  	_ =	shalt  }
0x69: {  	_ =	shalt  }
0x6a: {  	_ =	shalt  }
0x6b: {  	_ =	shalt  }
0x6c: {  	_ =	shalt  }
0x6d: {  	_ =	shalt  }
0x6e: {  	_ =	shalt  }
0x6f: {  	_ =	shalt  }
0x70: {  	_ =	shalt  }
0x71: {  	_ =	shalt  }
0x72: {  	_ =	shalt  }
0x73: {  	_ =	shalt  }
0x74: {  	_ =	shalt  }
0x75: {  	_ =	shalt  }
0x76: {  	_ =	shalt  }
0x77: {  	_ =	shalt  }
0x78: {  	_ =	shalt  }
0x79: {  	_ =	shalt  }
0x7a: {  	_ =	shalt  }
0x7b: {  	_ =	shalt  }
0x7c: {  	_ =	shalt  }
0x7d: {  	_ =	shalt  }
0x7e: {  	_ =	shalt  }
0x7f: {  	_ =	shalt  }
0x80: {  	_ =	shalt  }
0x81: {  	_ =	shalt  }
0x82: {  	_ =	shalt  }
0x83: {  	_ =	shalt  }
0x84: {  	_ =	shalt  }
0x85: {  	_ =	shalt  }
0x86: {  	_ =	shalt  }
0x87: {  	_ =	shalt  }
.Lfunc_end0:
.L_simem_size_0:
called_computation_lowered:
.L_overlay_start_0:
0x88: {  	s2 =	sld [smem:$0x3FD9]  }
0x89: {  	s3 =	sld [smem:$0x3FFE];
	_ =	sdelay $0x1  }
0x8a: {  	s1 =	srdreg.scid  }
0x8b: {  	s0 =	sand.u32 $0x1, s1  }
0x8c: {  	s14 =	sshll.u32 s0, $0xA;
	s2 =	sadd.s32 s3, s2  }
0x8d: {  	s2 =	sadd.s32 s2, s14  }
0x8e: {  	[smem:$0x3FC5] =	sst s2  }
0x8f: {  	_ = 	snop  }
0x90: {  	s2 =	sld [smem:$0x3FD0];
	_ =	sdelay $0x1  }
0x91: {  	s15 =	sld [smem:$0x3FC8]  }
0x92: {  	s5 =	simm.s32 $0xA;
	s6 =	simm.s32 $0x10;
	s4 =	sld [smem:$0x3FC7]  }
0x93: {  	[smem:s6], [sflag:s5] =	dma.local [hbm:s2], $0x1  }
0x94: {  	_ =	swait.eq [sflag:s5], $0x1  }
0x95: {  	[sflag:s5] =	ssyncset.done $0x0  }
0x96: {  	s16 =	sld [smem:$0x10];
	[sflag:s5] =	ssyncadd.s32 $0xFFFFFFFF  }
0x97: {  	s17 =	sld [smem:$0x11];
	(tm) =	ssettm $0x1  }
0x98: {  	s18 =	sld [smem:$0x3FFB];
	_ =	sdelay $0x3  }
0x99: {  	_ =	strace s18  }
0x9a: {  	s6 =	sld [smem:$0x3FFC];
	_ =	sdelay $0x3  }
0x9b: {  	_ =	strace s6  }
0x9c: {  	s6 =	sld [smem:$0x3FFD];
	_ =	sdelay $0x3  }
0x9d: {  	_ =	strace s6  }
0x9e: {  	_ =	strace $0x8FFFFFFF  }
0x9f: {  	s19 =	sld [smem:$0x3FDB];
	_ =	sdelay $0x1  }
0xa0: {  	s7 =	simm.s32 $_scs_section_size  }
0xa1: {  	s8 =	simm.s32 $_size__tile_overlayer_lowered;
	s9 =	simm.s32 $_tile_overlayer_lowered  }
0xa2: {  	s22 =	simm.s32 $0x1BFF;
	s21 =	sshll.u32 s9, $0x1;
	s6 =	sadd.s32 s7, s19  }
0xa3: {  	s10 =	simm.s32 $0x0;
	s20 =	sshll.u32 s8, $0x1;
	s8 =	sadd.s32 s21, s6  }
0xa4: {  	[timem:s10], [sflag:s22] =	dma.local [hbm:s8], s20  }
0xa5: {  	_ =	swait.ge [sflag:s22], s20  }
0xa6: {  	s7 =	ssub.s32 $0x0, s20;
	[sflag:s22] =	ssyncset.done $0x0  }
0xa7: {  	[sflag:s22] =	ssyncadd.s32 s7;
	_ =	sdelay $0x1  }
0xa8: {  	s23 =	simm.s32 $0x1B8B  }
0xa9: {  	_ =	swait.ge [sflag:s23], $0x1  }
0xaa: {  	[sflag:s23] =	ssyncset.done $0x0  }
0xab: {  	s25 =	simm.s32 $0x1B8E;
	s24 =	sld [smem:$0x3FFE];
	[sflag:s23] =	ssyncadd.s32 $0xFFFFFFFF  }
0xac: {  	s26 =	simm.s32 $execute0_lowered;
	[smem:$0x3FD2] =	sst s25  }
0xad: {  	s8 =	sshll.u32 s26, $0x1;
	_ =	strace $0x80000046;
	[dreg:$0x1] =	wrdreg $0xFFFFFFFF  }
0xae: {  	s28 =	simm.s32 $_size_execute0_lowered;
	s6 =	sadd.s32 s6, s8;
	[dreg:$0x0] =	wrdreg $0x0  }
0xaf: {  	s8 =	sshll.u32 s28, $0x1;
	[dreg:$0x2] =	wrdreg s6  }
0xb0: {  	[dreg:$0x3] =	wrdreg s8  }
0xb1: {  	[dreg:$0x4] =	wrdreg $0xC0  }
0xb2: {  	_ =	task [dreg:s10], $0x5FFFF  }
0xb3: {  	[dreg:$0x1] =	wrdreg $0xFFFFFFFF  }
0xb4: {  	[dreg:$0x0] =	wrdreg $0x60  }
0xb5: {  	[dreg:$0x2] =	wrdreg s24  }
0xb6: {  	[dreg:$0x3] =	wrdreg s15  }
0xb7: {  	[dreg:$0x4] =	wrdreg s4  }
0xb8: {  	[dreg:$0x5] =	wrdreg s16  }
0xb9: {  	[dreg:$0x6] =	wrdreg s17  }
0xba: {  	[dreg:$0x7] =	wrdreg $0x9  }
0xbb: {  	_ =	task.clear_ibuf [dreg:s10], $0x8FFFF;
	_ =	strace $0x90000046  }
0xbc: {  	s29 =	simm.s32 $0x9;
	_ =	strace $0x80000048  }
0xbd: {  	_ =	swait.ge [sflag:s29], $0x1  }
0xbe: {  	[sflag:s29] =	ssyncadd.s32 $0xFFFFFFFF  }
0xbf: {  	_ =	strace $0x90000048  }
0xc0: {  	_ =	sfence  }
0xc1: {  	s30 =	sld [smem:$0x0];
	_ =	sdelay $0x2  }
0xc2: {  	s31 =	sshll.u32 s1, $0xD;
	s1 =	sshrl.u32 s1, $0x2  }
0xc3: {  	s3 =	sand.u32 $0x4000, s31;
	s1 =	sadd.s32 s1, s30  }
0xc4: {  	s0 =	sor.u32 s3, s0;
	s1 =	sshll.u32 s1, $0x11  }
0xc5: {  	s0 =	sor.u32 s1, s0  }
0xc6: {  	s0 =	sadd.s32 $0x8F2B, s0  }
0xc7: {  	[sflag:s0] =	ssyncadd.remote.s32 $0x1  }
0xc8: {  	_ =	sfence.sel $0xFFFF  }
0xc9: {  	[dreg:$0x0] =	wrdreg $0xFFFFFFFF;
	(pc) =	sbr.abs _section_cstart, $3  }
0xca: {  	[dreg:$0x1] =	wrdreg $0xFFFFFFFF  }
0xcb: {  	_ =	task.clear_ibuf [dreg:s10], $0x2FFFF;
	_ =	strace $0x9FFFFFFF  }
0xcc: {  	(tm) =	ssettm $0x7FFFFFFF  }
0xcd: {  	_ =	shalt  }
tec
execute0_lowered:
.L_overlay_start_1:
0x0: {  	(tag) =	ssettag $0x1  }
0x1: {  	s0 =	rddreg [dreg:$0x0]  }
0x2: {  	s25 =	rddreg [dreg:$0x1]  }
0x3: {  	s3 =	rddreg [dreg:$0x2]  }
0x4: {  	s1 =	srdreg.scid;
	s4 =	rddreg [dreg:$0x3]  }
0x5: {  	s2 =	stileid.u32;
	s5 =	rddreg [dreg:$0x4];
	s31 =	simm.s32 $0x1  }
0x6: {  	s28 =	simm.s32 $0x2;
	s1 =	sand.u32 $0x1, s1;
	s2 =	sshll.u32 s2, $0x1  }
0x7: {  	p0 =	por $0x0, $0x0;
	s29 =	simm.s32 $0x3;
	s6 =	sor.u32 s1, s2  }
0x8: {  	s2 =	simm.s32 $0x0;
	s1 =	ssub.s32 $0x2, s1;
	s7 =	sshll.u32 s6, $0x7  }
0x9: {  	[smem:$0x7FF] =	sst s2;
	s6 =	sshll.u32 s6, $0xD;
	s22 =	sshrl.u32 s1, $0x1  }
0xa: {  	s0 =	sadd.s32 s7, s0;
	_ =	strace $0x80000047;
	s24 =	sadd.s32 s4, s6  }
0xb: {  	s26 =	sor.u32 $0x400, s6;
	s8 =	sor.u32 $0x800, s6;
	s16 =	sadd.s32 s5, s6  }
0xc: {  	s1 =	ssub.s32 s1, s22;
	s22 =	simm.s32 $0x6;
	[dreg:$0x7] =	wrdreg s24  }
0xd: {  	s7 =	simm.s32 $0xD;
	s0 =	sadd.s32 $0x600, s0;
	[dreg:$0xf] =	wrdreg s16  }
0xe: {  	s9 =	sadd.s32 s4, s26;
	s10 =	sadd.s32 s4, s8;
	[dreg:$0x6] =	wrdreg s0  }
0xf: {  	s17 =	sadd.s32 s5, s26;
	s18 =	sadd.s32 s5, s8;
	[dreg:$0x8] =	wrdreg s9  }
0x10: {  	s26 =	smax.u32 s1, $0x1;
	s1 =	simm.s32 $0x11;
	[dreg:$0x9] =	wrdreg s10  }
0x11: {  	s16 =	simm.s32 $0x6400;
	s8 =	simm.s32 $0x9;
	[dreg:$0x10] =	wrdreg s17  }
0x12: {  	s9 =	sor.u32 $0xC00, s6;
	s10 =	sor.u32 $0x1000, s6;
	[dreg:$0x11] =	wrdreg s18  }
0x13: {  	s18 =	simm.s32 $0x2400;
	s17 =	simm.s32 $0x4400;
	p1 =	sne.s32 s26, $0x1  }
0x14: {  	s0 =	sadd.s32 $0xFFFFFFFF, s26;
	s11 =	sadd.s32 s4, s9;
	s30 =	rddreg [dreg:$0x6]  }
0x15: {  	s26 =	simm.s32 $0x4;
	s12 =	sadd.s32 s4, s10;
	[dreg:$0xa] =	wrdreg s11  }
0x16: {  	s19 =	sadd.s32 s5, s9;
	s20 =	sadd.s32 s5, s10;
	[dreg:$0xb] =	wrdreg s12  }
0x17: {  	s10 =	simm.s32 $0xE400;
	s9 =	simm.s32 $0xC;
	[dreg:$0x12] =	wrdreg s19  }
0x18: {  	s11 =	sor.u32 $0x1400, s6;
	s12 =	sor.u32 $0x1800, s6;
	[dreg:$0x13] =	wrdreg s20  }
0x19: {  	s20 =	simm.s32 $0x40;
	s19 =	simm.s32 $0x8;
	s13 =	sadd.s32 s4, s11  }
0x1a: {  	s14 =	sadd.s32 s4, s12;
	s21 =	sadd.s32 s5, s11;
	[dreg:$0xc] =	wrdreg s13  }
0x1b: {  	s23 =	sadd.s32 s5, s12;
	s12 =	simm.s32 $0xA;
	[dreg:$0xd] =	wrdreg s14  }
0x1c: {  	s11 =	simm.s32 $0xB;
	s13 =	sor.u32 $0x1C00, s6;
	[dreg:$0x14] =	wrdreg s21  }
.Ltmp0:
0x1d: {  	[dreg:$0x15] =	wrdreg s23;
	s23 =	simm.s32 $0x400;
	(pc) =	sbr.rel @!p1 .LBB2_5-.Ltmp0, $4  }
0x1e: {  	s14 =	simm.s32 $0xA400;
	s21 =	simm.s32 $0x7;
	s6 =	simm.s32 $0xE  }
0x1f: {  	s15 =	sadd.s32 s4, s13;
	s24 =	sadd.s32 s5, s13;
	s13 =	simm.s32 $0xC400  }
0x20: {  	s5 =	simm.s32 $0xF;
	s4 =	simm.s32 $0x10;
	[dreg:$0xe] =	wrdreg s15  }
0x21: {  	[dreg:$0x16] =	wrdreg s24;
	s15 =	simm.s32 $0x8400;
	s24 =	simm.s32 $0x5  }
0x22: {  	[tilespmem:s2], [sflag:$0x11] =	stream.linear.gather [hbm4b:s30+s2], $0x400, $0x38;
	[tilespmem:$0x10400] =	vst v63  }
0x23: {  	_ =	swait.ge [sflag:s1], $0x400  }
0x24: {  	[sflag:s1] =	ssyncset.done $0x0  }
0x25: {  	[sflag:s1] =	ssyncadd.s32 $0xFFFFFC00  }
0x26: {  	[tilespmem:s23], [sflag:$0x1] =	stream.indirect.gather [hbm4b:s25+s20], $0x80, s2, s20, $0xb8;
	[tilespmem:$0x10400] =	vst v63  }
0x27: {  	s10 =	simm.s32 $0x80  }
0x28: {  	[tilespmem:s18], [sflag:$0x2] =	stream.indirect.gather [hbm4b:s25+s20], $0x80, s10, s20, $0xb8;
	[tilespmem:$0x10400] =	vst v63  }
0x29: {  	s1 =	simm.s32 $0x100  }
0x2a: {  	[tilespmem:s17], [sflag:$0x3] =	stream.indirect.gather [hbm4b:s25+s20], $0x80, s1, s20, $0xb8;
	[tilespmem:$0x10400] =	vst v63  }
0x2b: {  	s5 =	simm.s32 $0x180  }
0x2c: {  	[tilespmem:s16], [sflag:$0x4] =	stream.indirect.gather [hbm4b:s25+s20], $0x80, s5, s20, $0xb8;
	[tilespmem:$0x10400] =	vst v63  }
0x2d: {  	s14 =	simm.s32 $0x200;
	s16 =	simm.s32 $0x8400  }
0x2e: {  	[tilespmem:s16], [sflag:$0x5] =	stream.indirect.gather [hbm4b:s25+s20], $0x80, s14, s20, $0xb8;
	[tilespmem:$0x10400] =	vst v63  }
0x2f: {  	s15 =	simm.s32 $0xA400;
	s6 =	simm.s32 $0x280  }
0x30: {  	[tilespmem:s15], [sflag:$0x6] =	stream.indirect.gather [hbm4b:s25+s20], $0x80, s6, s20, $0xb8;
	[tilespmem:$0x10400] =	vst v63  }
0x31: {  	s30 =	simm.s32 $0xC400;
	s11 =	simm.s32 $0x300  }
0x32: {  	[tilespmem:s30], [sflag:$0x7] =	stream.indirect.gather [hbm4b:s25+s20], $0x80, s11, s20, $0xb8;
	[tilespmem:$0x10400] =	vst v63  }
0x33: {  	_ =	swait.ge [sflag:s31], $0x2000  }
0x34: {  	[sflag:s31] =	ssyncset.done $0x0  }
0x35: {  	s4 =	simm.s32 $0x400;
	s30 =	rddreg [dreg:$0x7];
	[sflag:s31] =	ssyncadd.s32 $0xFFFFE000  }
0x36: {  	[hbm4b:s30+s2] =	stream.linear.scatter [tilespmem:s4], [sflag:$0x9], $0x2000, $0x38;
	[tilespmem:$0x10400] =	vst v63  }
0x37: {  	s13 =	simm.s32 $0xE400;
	s29 =	simm.s32 $0x2;
	s21 =	simm.s32 $0x380  }
0x38: {  	[tilespmem:s13], [sflag:$0x8] =	stream.indirect.gather [hbm4b:s25+s20], $0x80, s21, s20, $0xb8;
	[tilespmem:$0x10400] =	vst v63  }
0x39: {  	_ =	swait.ge [sflag:s29], $0x2000  }
0x3a: {  	s9 =	simm.s32 $0x9;
	[sflag:s29] =	ssyncset.done $0x0  }
0x3b: {  	s23 =	simm.s32 $0x2400;
	s30 =	rddreg [dreg:$0x8];
	[sflag:s29] =	ssyncadd.s32 $0xFFFFE000  }
0x3c: {  	[hbm4b:s30+s2] =	stream.linear.scatter [tilespmem:s23], [sflag:$0xA], $0x2000, $0x38;
	[tilespmem:$0x10400] =	vst v63  }
0x3d: {  	_ =	swait.ge [sflag:s9], $0x2000  }
0x3e: {  	[sflag:s9] =	ssyncset.done $0x0  }
0x3f: {  	s29 =	simm.s32 $0x3;
	s23 =	simm.s32 $0x400;
	[sflag:s9] =	ssyncadd.s32 $0xFFFFE000  }
0x40: {  	[tilespmem:s23], [sflag:$0x1] =	stream.indirect.gather [hbm4b:s3+s20], $0x80, s2, s20, $0xb8;
	[tilespmem:$0x10400] =	vst v63  }
0x41: {  	_ =	swait.ge [sflag:s29], $0x2000  }
0x42: {  	s19 =	simm.s32 $0xA;
	[sflag:s29] =	ssyncset.done $0x0  }
0x43: {  	s18 =	simm.s32 $0x4400;
	s30 =	rddreg [dreg:$0x9];
	[sflag:s29] =	ssyncadd.s32 $0xFFFFE000  }
0x44: {  	[hbm4b:s30+s2] =	stream.linear.scatter [tilespmem:s18], [sflag:$0xB], $0x2000, $0x38;
	[tilespmem:$0x10400] =	vst v63  }
0x45: {  	_ =	swait.ge [sflag:s19], $0x2000  }
0x46: {  	[sflag:s19] =	ssyncset.done $0x0  }
0x47: {  	s28 =	simm.s32 $0x4;
	s18 =	simm.s32 $0x2400;
	[sflag:s19] =	ssyncadd.s32 $0xFFFFE000  }
0x48: {  	[tilespmem:s18], [sflag:$0x2] =	stream.indirect.gather [hbm4b:s3+s20], $0x80, s10, s20, $0xb8;
	[tilespmem:$0x10400] =	vst v63  }
0x49: {  	_ =	swait.ge [sflag:s28], $0x2000  }
0x4a: {  	s12 =	simm.s32 $0xB;
	[sflag:s28] =	ssyncset.done $0x0  }
0x4b: {  	s17 =	simm.s32 $0x6400;
	s30 =	rddreg [dreg:$0xa];
	[sflag:s28] =	ssyncadd.s32 $0xFFFFE000  }
0x4c: {  	[hbm4b:s30+s2] =	stream.linear.scatter [tilespmem:s17], [sflag:$0xC], $0x2000, $0x38;
	[tilespmem:$0x10400] =	vst v63  }
0x4d: {  	_ =	swait.ge [sflag:s12], $0x2000  }
0x4e: {  	[sflag:s12] =	ssyncset.done $0x0  }
0x4f: {  	s26 =	simm.s32 $0x5;
	s17 =	simm.s32 $0x4400;
	[sflag:s12] =	ssyncadd.s32 $0xFFFFE000  }
0x50: {  	[tilespmem:s17], [sflag:$0x3] =	stream.indirect.gather [hbm4b:s3+s20], $0x80, s1, s20, $0xb8;
	[tilespmem:$0x10400] =	vst v63  }
0x51: {  	_ =	swait.ge [sflag:s26], $0x2000  }
0x52: {  	[sflag:s26] =	ssyncset.done $0x0  }
0x53: {  	s9 =	simm.s32 $0xC;
	s30 =	rddreg [dreg:$0xb];
	[sflag:s26] =	ssyncadd.s32 $0xFFFFE000  }
0x54: {  	[hbm4b:s30+s2] =	stream.linear.scatter [tilespmem:s16], [sflag:$0xD], $0x2000, $0x38;
	[tilespmem:$0x10400] =	vst v63  }
0x55: {  	_ =	swait.ge [sflag:s9], $0x2000  }
0x56: {  	[sflag:s9] =	ssyncset.done $0x0  }
0x57: {  	s24 =	simm.s32 $0x6;
	s16 =	simm.s32 $0x6400;
	[sflag:s9] =	ssyncadd.s32 $0xFFFFE000  }
0x58: {  	[tilespmem:s16], [sflag:$0x4] =	stream.indirect.gather [hbm4b:s3+s20], $0x80, s5, s20, $0xb8;
	[tilespmem:$0x10400] =	vst v63  }
0x59: {  	_ =	swait.ge [sflag:s24], $0x2000  }
0x5a: {  	[sflag:s24] =	ssyncset.done $0x0  }
0x5b: {  	s8 =	simm.s32 $0xD;
	s30 =	rddreg [dreg:$0xc];
	[sflag:s24] =	ssyncadd.s32 $0xFFFFE000  }
0x5c: {  	[hbm4b:s30+s2] =	stream.linear.scatter [tilespmem:s15], [sflag:$0xE], $0x2000, $0x38;
	[tilespmem:$0x10400] =	vst v63  }
0x5d: {  	_ =	swait.ge [sflag:s8], $0x2000  }
0x5e: {  	[sflag:s8] =	ssyncset.done $0x0  }
0x5f: {  	s22 =	simm.s32 $0x7;
	s15 =	simm.s32 $0x8400;
	[sflag:s8] =	ssyncadd.s32 $0xFFFFE000  }
0x60: {  	[tilespmem:s15], [sflag:$0x5] =	stream.indirect.gather [hbm4b:s3+s20], $0x80, s14, s20, $0xb8;
	[tilespmem:$0x10400] =	vst v63  }
0x61: {  	_ =	swait.ge [sflag:s22], $0x2000  }
0x62: {  	s7 =	simm.s32 $0xE;
	[sflag:s22] =	ssyncset.done $0x0  }
0x63: {  	s13 =	simm.s32 $0xC400;
	s30 =	rddreg [dreg:$0xd];
	[sflag:s22] =	ssyncadd.s32 $0xFFFFE000  }
0x64: {  	[hbm4b:s30+s2] =	stream.linear.scatter [tilespmem:s13], [sflag:$0xF], $0x2000, $0x38;
	[tilespmem:$0x10400] =	vst v63  }
0x65: {  	_ =	swait.ge [sflag:s7], $0x2000  }
0x66: {  	[sflag:s7] =	ssyncset.done $0x0  }
0x67: {  	s19 =	simm.s32 $0x8;
	s14 =	simm.s32 $0xA400;
	[sflag:s7] =	ssyncadd.s32 $0xFFFFE000  }
0x68: {  	[tilespmem:s14], [sflag:$0x6] =	stream.indirect.gather [hbm4b:s3+s20], $0x80, s6, s20, $0xb8;
	[tilespmem:$0x10400] =	vst v63  }
0x69: {  	_ =	swait.ge [sflag:s19], $0x2000  }
0x6a: {  	s10 =	simm.s32 $0xE400;
	[sflag:s19] =	ssyncset.done $0x0  }
0x6b: {  	s5 =	simm.s32 $0xF;
	s30 =	rddreg [dreg:$0xe];
	[sflag:s19] =	ssyncadd.s32 $0xFFFFE000  }
0x6c: {  	[hbm4b:s30+s2] =	stream.linear.scatter [tilespmem:s10], [sflag:$0x10], $0x2000, $0x38;
	[tilespmem:$0x10400] =	vst v63  }
0x6d: {  	_ =	swait.ge [sflag:s5], $0x2000  }
0x6e: {  	[sflag:s5] =	ssyncset.done $0x0  }
0x6f: {  	[sflag:s5] =	ssyncadd.s32 $0xFFFFE000  }
0x70: {  	[tilespmem:s13], [sflag:$0x7] =	stream.indirect.gather [hbm4b:s3+s20], $0x80, s11, s20, $0xb8;
	[tilespmem:$0x10400] =	vst v63  }
0x71: {  	_ =	swait.ge [sflag:s31], $0x2000  }
0x72: {  	[sflag:s31] =	ssyncset.done $0x0  }
0x73: {  	s4 =	simm.s32 $0x10;
	s30 =	rddreg [dreg:$0xf];
	[sflag:s31] =	ssyncadd.s32 $0xFFFFE000  }
0x74: {  	[hbm4b:s30+s2] =	stream.linear.scatter [tilespmem:s23], [sflag:$0x9], $0x2000, $0x38;
	[tilespmem:$0x10400] =	vst v63  }
0x75: {  	_ =	swait.ge [sflag:s4], $0x2000  }
0x76: {  	[sflag:s4] =	ssyncset.done $0x0  }
0x77: {  	s28 =	simm.s32 $0x2;
	[sflag:s4] =	ssyncadd.s32 $0xFFFFE000  }
0x78: {  	[tilespmem:s10], [sflag:$0x8] =	stream.indirect.gather [hbm4b:s3+s20], $0x80, s21, s20, $0xb8;
	[tilespmem:$0x10400] =	vst v63  }
0x79: {  	_ =	swait.ge [sflag:s28], $0x2000  }
0x7a: {  	[sflag:s28] =	ssyncset.done $0x0  }
0x7b: {  	s30 =	rddreg [dreg:$0x10];
	[sflag:s28] =	ssyncadd.s32 $0xFFFFE000  }
0x7c: {  	[hbm4b:s30+s2] =	stream.linear.scatter [tilespmem:s18], [sflag:$0xA], $0x2000, $0x38;
	[tilespmem:$0x10400] =	vst v63  }
0x7d: {  	_ =	swait.ge [sflag:s29], $0x2000  }
0x7e: {  	[sflag:s29] =	ssyncset.done $0x0  }
0x7f: {  	s26 =	simm.s32 $0x4;
	s30 =	rddreg [dreg:$0x11];
	[sflag:s29] =	ssyncadd.s32 $0xFFFFE000  }
0x80: {  	[hbm4b:s30+s2] =	stream.linear.scatter [tilespmem:s17], [sflag:$0xB], $0x2000, $0x38;
	[tilespmem:$0x10400] =	vst v63  }
0x81: {  	_ =	swait.ge [sflag:s26], $0x2000  }
0x82: {  	[sflag:s26] =	ssyncset.done $0x0  }
0x83: {  	s24 =	simm.s32 $0x5;
	s30 =	rddreg [dreg:$0x12];
	[sflag:s26] =	ssyncadd.s32 $0xFFFFE000  }
0x84: {  	[hbm4b:s30+s2] =	stream.linear.scatter [tilespmem:s16], [sflag:$0xC], $0x2000, $0x38;
	[tilespmem:$0x10400] =	vst v63  }
0x85: {  	_ =	swait.ge [sflag:s24], $0x2000  }
0x86: {  	[sflag:s24] =	ssyncset.done $0x0  }
0x87: {  	s22 =	simm.s32 $0x6;
	s30 =	rddreg [dreg:$0x13];
	[sflag:s24] =	ssyncadd.s32 $0xFFFFE000  }
0x88: {  	[hbm4b:s30+s2] =	stream.linear.scatter [tilespmem:s15], [sflag:$0xD], $0x2000, $0x38;
	[tilespmem:$0x10400] =	vst v63  }
0x89: {  	_ =	swait.ge [sflag:s22], $0x2000  }
0x8a: {  	[sflag:s22] =	ssyncset.done $0x0  }
0x8b: {  	s21 =	simm.s32 $0x7;
	s30 =	rddreg [dreg:$0x14];
	[sflag:s22] =	ssyncadd.s32 $0xFFFFE000  }
0x8c: {  	[hbm4b:s30+s2] =	stream.linear.scatter [tilespmem:s14], [sflag:$0xE], $0x2000, $0x38;
	[tilespmem:$0x10400] =	vst v63  }
0x8d: {  	_ =	swait.ge [sflag:s21], $0x2000  }
0x8e: {  	[sflag:s21] =	ssyncset.done $0x0  }
0x8f: {  	s30 =	rddreg [dreg:$0x15];
	[sflag:s21] =	ssyncadd.s32 $0xFFFFE000  }
0x90: {  	[hbm4b:s30+s2] =	stream.linear.scatter [tilespmem:s13], [sflag:$0xF], $0x2000, $0x38;
	[tilespmem:$0x10400] =	vst v63  }
0x91: {  	_ =	swait.ge [sflag:s19], $0x2000  }
0x92: {  	[sflag:s19] =	ssyncset.done $0x0  }
0x93: {  	s8 =	simm.s32 $0x9;
	s30 =	rddreg [dreg:$0x16];
	[sflag:s19] =	ssyncadd.s32 $0xFFFFE000  }
0x94: {  	[hbm4b:s30+s2] =	stream.linear.scatter [tilespmem:s10], [sflag:$0x10], $0x2000, $0x38;
	[tilespmem:$0x10400] =	vst v63  }
0x95: {  	_ =	swait.ge [sflag:s8], $0x2000  }
0x96: {  	[sflag:s8] =	ssyncset.done $0x0  }
0x97: {  	s12 =	simm.s32 $0xA;
	[sflag:s8] =	ssyncadd.s32 $0xFFFFE000  }
0x98: {  	_ =	swait.ge [sflag:s12], $0x2000  }
0x99: {  	[sflag:s12] =	ssyncset.done $0x0  }
0x9a: {  	s11 =	simm.s32 $0xB;
	[sflag:s12] =	ssyncadd.s32 $0xFFFFE000  }
0x9b: {  	_ =	swait.ge [sflag:s11], $0x2000  }
0x9c: {  	[sflag:s11] =	ssyncset.done $0x0  }
0x9d: {  	[sflag:s11] =	ssyncadd.s32 $0xFFFFE000  }
0x9e: {  	_ =	swait.ge [sflag:s9], $0x2000  }
0x9f: {  	[sflag:s9] =	ssyncset.done $0x0  }
0xa0: {  	s7 =	simm.s32 $0xD;
	[sflag:s9] =	ssyncadd.s32 $0xFFFFE000  }
0xa1: {  	_ =	swait.ge [sflag:s7], $0x2000  }
0xa2: {  	[sflag:s7] =	ssyncset.done $0x0  }
0xa3: {  	s6 =	simm.s32 $0xE;
	[sflag:s7] =	ssyncadd.s32 $0xFFFFE000  }
0xa4: {  	_ =	swait.ge [sflag:s6], $0x2000  }
0xa5: {  	[sflag:s6] =	ssyncset.done $0x0  }
0xa6: {  	p1 =	sne.s32 s0, $0x1;
	[sflag:s6] =	ssyncadd.s32 $0xFFFFE000  }
.Ltmp1:
0xa7: {  	_ =	swait.ge [sflag:s5], $0x2000;
	(pc) =	sbr.rel @!p1 .LBB2_2-.Ltmp1, $4  }
0xa8: {  	[sflag:s5] =	ssyncset.done $0x0  }
0xa9: {  	[sflag:s5] =	ssyncadd.s32 $0xFFFFE000  }
0xaa: {  	s0 =	sadd.s32 $0xFFFFFFFF, s0;
	_ =	swait.ge [sflag:s4], $0x2000  }
0xab: {  	p0 =	por $0x1, $0x1;
	s30 =	rddreg [dreg:$0x6];
	[sflag:s4] =	ssyncset.done $0x0  }
.LBB2_3:
0xac: {  	[sflag:s4] =	ssyncadd.s32 $0xFFFFE000;
	s1 =	simm.s32 $0x11  }
0xad: {  	[tilespmem:s2], [sflag:$0x11] =	stream.linear.gather [hbm4b:s30+s2], $0x400, $0x38;
	[tilespmem:$0x10400] =	vst v63  }
0xae: {  	_ =	swait.ge [sflag:s1], $0x400  }
0xaf: {  	[sflag:s1] =	ssyncset.done $0x0  }
0xb0: {  	[sflag:s1] =	ssyncadd.s32 $0xFFFFFC00  }
0xb1: {  	[tilespmem:s23], [sflag:$0x1] =	stream.indirect.gather [hbm4b:s25+s20], $0x80, s2, s20, $0xb8;
	[tilespmem:$0x10400] =	vst v63  }
0xb2: {  	s10 =	simm.s32 $0x80  }
0xb3: {  	[tilespmem:s18], [sflag:$0x2] =	stream.indirect.gather [hbm4b:s25+s20], $0x80, s10, s20, $0xb8;
	[tilespmem:$0x10400] =	vst v63  }
0xb4: {  	s1 =	simm.s32 $0x100  }
0xb5: {  	[tilespmem:s17], [sflag:$0x3] =	stream.indirect.gather [hbm4b:s25+s20], $0x80, s1, s20, $0xb8;
	[tilespmem:$0x10400] =	vst v63  }
0xb6: {  	s5 =	simm.s32 $0x180  }
0xb7: {  	[tilespmem:s16], [sflag:$0x4] =	stream.indirect.gather [hbm4b:s25+s20], $0x80, s5, s20, $0xb8;
	[tilespmem:$0x10400] =	vst v63  }
0xb8: {  	s14 =	simm.s32 $0x200;
	s16 =	simm.s32 $0x8400  }
0xb9: {  	[tilespmem:s16], [sflag:$0x5] =	stream.indirect.gather [hbm4b:s25+s20], $0x80, s14, s20, $0xb8;
	[tilespmem:$0x10400] =	vst v63  }
0xba: {  	s15 =	simm.s32 $0xA400;
	s6 =	simm.s32 $0x280  }
0xbb: {  	[tilespmem:s15], [sflag:$0x6] =	stream.indirect.gather [hbm4b:s25+s20], $0x80, s6, s20, $0xb8;
	[tilespmem:$0x10400] =	vst v63  }
0xbc: {  	s11 =	simm.s32 $0x300;
	s30 =	simm.s32 $0xC400  }
0xbd: {  	[tilespmem:s30], [sflag:$0x7] =	stream.indirect.gather [hbm4b:s25+s20], $0x80, s11, s20, $0xb8;
	[tilespmem:$0x10400] =	vst v63  }
0xbe: {  	_ =	swait.ge [sflag:s31], $0x2000  }
0xbf: {  	[sflag:s31] =	ssyncset.done $0x0  }
0xc0: {  	s26 =	simm.s32 $0x400;
	s30 =	rddreg [dreg:$0x7];
	[sflag:s31] =	ssyncadd.s32 $0xFFFFE000  }
0xc1: {  	[hbm4b:s30+s2] =	stream.linear.scatter [tilespmem:s26], [sflag:$0x9], $0x2000, $0x38;
	[tilespmem:$0x10400] =	vst v63  }
0xc2: {  	s13 =	simm.s32 $0xE400;
	s29 =	simm.s32 $0x2;
	s21 =	simm.s32 $0x380  }
0xc3: {  	[tilespmem:s13], [sflag:$0x8] =	stream.indirect.gather [hbm4b:s25+s20], $0x80, s21, s20, $0xb8;
	[tilespmem:$0x10400] =	vst v63  }
0xc4: {  	_ =	swait.ge [sflag:s29], $0x2000  }
0xc5: {  	s9 =	simm.s32 $0x9;
	[sflag:s29] =	ssyncset.done $0x0  }
0xc6: {  	s23 =	simm.s32 $0x2400;
	s30 =	rddreg [dreg:$0x8];
	[sflag:s29] =	ssyncadd.s32 $0xFFFFE000  }
0xc7: {  	[hbm4b:s30+s2] =	stream.linear.scatter [tilespmem:s23], [sflag:$0xA], $0x2000, $0x38;
	[tilespmem:$0x10400] =	vst v63  }
0xc8: {  	_ =	swait.ge [sflag:s9], $0x2000  }
0xc9: {  	[sflag:s9] =	ssyncset.done $0x0  }
0xca: {  	s29 =	simm.s32 $0x3;
	s23 =	simm.s32 $0x400;
	[sflag:s9] =	ssyncadd.s32 $0xFFFFE000  }
0xcb: {  	[tilespmem:s23], [sflag:$0x1] =	stream.indirect.gather [hbm4b:s3+s20], $0x80, s2, s20, $0xb8;
	[tilespmem:$0x10400] =	vst v63  }
0xcc: {  	_ =	swait.ge [sflag:s29], $0x2000  }
0xcd: {  	s19 =	simm.s32 $0xA;
	[sflag:s29] =	ssyncset.done $0x0  }
0xce: {  	s18 =	simm.s32 $0x4400;
	s30 =	rddreg [dreg:$0x9];
	[sflag:s29] =	ssyncadd.s32 $0xFFFFE000  }
0xcf: {  	[hbm4b:s30+s2] =	stream.linear.scatter [tilespmem:s18], [sflag:$0xB], $0x2000, $0x38;
	[tilespmem:$0x10400] =	vst v63  }
0xd0: {  	_ =	swait.ge [sflag:s19], $0x2000  }
0xd1: {  	[sflag:s19] =	ssyncset.done $0x0  }
0xd2: {  	s28 =	simm.s32 $0x4;
	s18 =	simm.s32 $0x2400;
	[sflag:s19] =	ssyncadd.s32 $0xFFFFE000  }
0xd3: {  	[tilespmem:s18], [sflag:$0x2] =	stream.indirect.gather [hbm4b:s3+s20], $0x80, s10, s20, $0xb8;
	[tilespmem:$0x10400] =	vst v63  }
0xd4: {  	_ =	swait.ge [sflag:s28], $0x2000  }
0xd5: {  	s12 =	simm.s32 $0xB;
	[sflag:s28] =	ssyncset.done $0x0  }
0xd6: {  	s17 =	simm.s32 $0x6400;
	s30 =	rddreg [dreg:$0xa];
	[sflag:s28] =	ssyncadd.s32 $0xFFFFE000  }
0xd7: {  	[hbm4b:s30+s2] =	stream.linear.scatter [tilespmem:s17], [sflag:$0xC], $0x2000, $0x38;
	[tilespmem:$0x10400] =	vst v63  }
0xd8: {  	_ =	swait.ge [sflag:s12], $0x2000  }
0xd9: {  	[sflag:s12] =	ssyncset.done $0x0  }
0xda: {  	s26 =	simm.s32 $0x5;
	s17 =	simm.s32 $0x4400;
	[sflag:s12] =	ssyncadd.s32 $0xFFFFE000  }
0xdb: {  	[tilespmem:s17], [sflag:$0x3] =	stream.indirect.gather [hbm4b:s3+s20], $0x80, s1, s20, $0xb8;
	[tilespmem:$0x10400] =	vst v63  }
0xdc: {  	_ =	swait.ge [sflag:s26], $0x2000  }
0xdd: {  	[sflag:s26] =	ssyncset.done $0x0  }
0xde: {  	s9 =	simm.s32 $0xC;
	s30 =	rddreg [dreg:$0xb];
	[sflag:s26] =	ssyncadd.s32 $0xFFFFE000  }
0xdf: {  	[hbm4b:s30+s2] =	stream.linear.scatter [tilespmem:s16], [sflag:$0xD], $0x2000, $0x38;
	[tilespmem:$0x10400] =	vst v63  }
0xe0: {  	_ =	swait.ge [sflag:s9], $0x2000  }
0xe1: {  	[sflag:s9] =	ssyncset.done $0x0  }
0xe2: {  	s24 =	simm.s32 $0x6;
	s16 =	simm.s32 $0x6400;
	[sflag:s9] =	ssyncadd.s32 $0xFFFFE000  }
0xe3: {  	[tilespmem:s16], [sflag:$0x4] =	stream.indirect.gather [hbm4b:s3+s20], $0x80, s5, s20, $0xb8;
	[tilespmem:$0x10400] =	vst v63  }
0xe4: {  	_ =	swait.ge [sflag:s24], $0x2000  }
0xe5: {  	[sflag:s24] =	ssyncset.done $0x0  }
0xe6: {  	s8 =	simm.s32 $0xD;
	s30 =	rddreg [dreg:$0xc];
	[sflag:s24] =	ssyncadd.s32 $0xFFFFE000  }
0xe7: {  	[hbm4b:s30+s2] =	stream.linear.scatter [tilespmem:s15], [sflag:$0xE], $0x2000, $0x38;
	[tilespmem:$0x10400] =	vst v63  }
0xe8: {  	_ =	swait.ge [sflag:s8], $0x2000  }
0xe9: {  	[sflag:s8] =	ssyncset.done $0x0  }
0xea: {  	s22 =	simm.s32 $0x7;
	s15 =	simm.s32 $0x8400;
	[sflag:s8] =	ssyncadd.s32 $0xFFFFE000  }
0xeb: {  	[tilespmem:s15], [sflag:$0x5] =	stream.indirect.gather [hbm4b:s3+s20], $0x80, s14, s20, $0xb8;
	[tilespmem:$0x10400] =	vst v63  }
0xec: {  	_ =	swait.ge [sflag:s22], $0x2000  }
0xed: {  	s7 =	simm.s32 $0xE;
	[sflag:s22] =	ssyncset.done $0x0  }
0xee: {  	s13 =	simm.s32 $0xC400;
	s30 =	rddreg [dreg:$0xd];
	[sflag:s22] =	ssyncadd.s32 $0xFFFFE000  }
0xef: {  	[hbm4b:s30+s2] =	stream.linear.scatter [tilespmem:s13], [sflag:$0xF], $0x2000, $0x38;
	[tilespmem:$0x10400] =	vst v63  }
0xf0: {  	_ =	swait.ge [sflag:s7], $0x2000  }
0xf1: {  	[sflag:s7] =	ssyncset.done $0x0  }
0xf2: {  	s19 =	simm.s32 $0x8;
	s14 =	simm.s32 $0xA400;
	[sflag:s7] =	ssyncadd.s32 $0xFFFFE000  }
0xf3: {  	[tilespmem:s14], [sflag:$0x6] =	stream.indirect.gather [hbm4b:s3+s20], $0x80, s6, s20, $0xb8;
	[tilespmem:$0x10400] =	vst v63  }
0xf4: {  	_ =	swait.ge [sflag:s19], $0x2000  }
0xf5: {  	s10 =	simm.s32 $0xE400;
	[sflag:s19] =	ssyncset.done $0x0  }
0xf6: {  	s5 =	simm.s32 $0xF;
	s30 =	rddreg [dreg:$0xe];
	[sflag:s19] =	ssyncadd.s32 $0xFFFFE000  }
0xf7: {  	[hbm4b:s30+s2] =	stream.linear.scatter [tilespmem:s10], [sflag:$0x10], $0x2000, $0x38;
	[tilespmem:$0x10400] =	vst v63  }
0xf8: {  	_ =	swait.ge [sflag:s5], $0x2000  }
0xf9: {  	[sflag:s5] =	ssyncset.done $0x0  }
0xfa: {  	[sflag:s5] =	ssyncadd.s32 $0xFFFFE000  }
0xfb: {  	[tilespmem:s13], [sflag:$0x7] =	stream.indirect.gather [hbm4b:s3+s20], $0x80, s11, s20, $0xb8;
	[tilespmem:$0x10400] =	vst v63  }
0xfc: {  	_ =	swait.ge [sflag:s31], $0x2000  }
0xfd: {  	[sflag:s31] =	ssyncset.done $0x0  }
0xfe: {  	s4 =	simm.s32 $0x10;
	s30 =	rddreg [dreg:$0xf];
	[sflag:s31] =	ssyncadd.s32 $0xFFFFE000  }
0xff: {  	[hbm4b:s30+s2] =	stream.linear.scatter [tilespmem:s23], [sflag:$0x9], $0x2000, $0x38;
	[tilespmem:$0x10400] =	vst v63  }
0x100: {  	_ =	swait.ge [sflag:s4], $0x2000  }
0x101: {  	[sflag:s4] =	ssyncset.done $0x0  }
0x102: {  	s28 =	simm.s32 $0x2;
	[sflag:s4] =	ssyncadd.s32 $0xFFFFE000  }
0x103: {  	[tilespmem:s10], [sflag:$0x8] =	stream.indirect.gather [hbm4b:s3+s20], $0x80, s21, s20, $0xb8;
	[tilespmem:$0x10400] =	vst v63  }
0x104: {  	_ =	swait.ge [sflag:s28], $0x2000  }
0x105: {  	[sflag:s28] =	ssyncset.done $0x0  }
0x106: {  	s30 =	rddreg [dreg:$0x10];
	[sflag:s28] =	ssyncadd.s32 $0xFFFFE000  }
0x107: {  	[hbm4b:s30+s2] =	stream.linear.scatter [tilespmem:s18], [sflag:$0xA], $0x2000, $0x38;
	[tilespmem:$0x10400] =	vst v63  }
0x108: {  	_ =	swait.ge [sflag:s29], $0x2000  }
0x109: {  	[sflag:s29] =	ssyncset.done $0x0  }
0x10a: {  	s26 =	simm.s32 $0x4;
	s30 =	rddreg [dreg:$0x11];
	[sflag:s29] =	ssyncadd.s32 $0xFFFFE000  }
0x10b: {  	[hbm4b:s30+s2] =	stream.linear.scatter [tilespmem:s17], [sflag:$0xB], $0x2000, $0x38;
	[tilespmem:$0x10400] =	vst v63  }
0x10c: {  	_ =	swait.ge [sflag:s26], $0x2000  }
0x10d: {  	[sflag:s26] =	ssyncset.done $0x0  }
0x10e: {  	s24 =	simm.s32 $0x5;
	s30 =	rddreg [dreg:$0x12];
	[sflag:s26] =	ssyncadd.s32 $0xFFFFE000  }
0x10f: {  	[hbm4b:s30+s2] =	stream.linear.scatter [tilespmem:s16], [sflag:$0xC], $0x2000, $0x38;
	[tilespmem:$0x10400] =	vst v63  }
0x110: {  	_ =	swait.ge [sflag:s24], $0x2000  }
0x111: {  	[sflag:s24] =	ssyncset.done $0x0  }
0x112: {  	s22 =	simm.s32 $0x6;
	s30 =	rddreg [dreg:$0x13];
	[sflag:s24] =	ssyncadd.s32 $0xFFFFE000  }
0x113: {  	[hbm4b:s30+s2] =	stream.linear.scatter [tilespmem:s15], [sflag:$0xD], $0x2000, $0x38;
	[tilespmem:$0x10400] =	vst v63  }
0x114: {  	_ =	swait.ge [sflag:s22], $0x2000  }
0x115: {  	[sflag:s22] =	ssyncset.done $0x0  }
0x116: {  	s21 =	simm.s32 $0x7;
	s30 =	rddreg [dreg:$0x14];
	[sflag:s22] =	ssyncadd.s32 $0xFFFFE000  }
0x117: {  	[hbm4b:s30+s2] =	stream.linear.scatter [tilespmem:s14], [sflag:$0xE], $0x2000, $0x38;
	[tilespmem:$0x10400] =	vst v63  }
0x118: {  	_ =	swait.ge [sflag:s21], $0x2000  }
0x119: {  	[sflag:s21] =	ssyncset.done $0x0  }
0x11a: {  	s30 =	rddreg [dreg:$0x15];
	[sflag:s21] =	ssyncadd.s32 $0xFFFFE000  }
0x11b: {  	[hbm4b:s30+s2] =	stream.linear.scatter [tilespmem:s13], [sflag:$0xF], $0x2000, $0x38;
	[tilespmem:$0x10400] =	vst v63  }
0x11c: {  	_ =	swait.ge [sflag:s19], $0x2000  }
0x11d: {  	[sflag:s19] =	ssyncset.done $0x0  }
0x11e: {  	s8 =	simm.s32 $0x9;
	s30 =	rddreg [dreg:$0x16];
	[sflag:s19] =	ssyncadd.s32 $0xFFFFE000  }
0x11f: {  	[hbm4b:s30+s2] =	stream.linear.scatter [tilespmem:s10], [sflag:$0x10], $0x2000, $0x38;
	[tilespmem:$0x10400] =	vst v63  }
0x120: {  	_ =	swait.ge [sflag:s8], $0x2000  }
0x121: {  	[sflag:s8] =	ssyncset.done $0x0  }
0x122: {  	s12 =	simm.s32 $0xA;
	[sflag:s8] =	ssyncadd.s32 $0xFFFFE000  }
0x123: {  	_ =	swait.ge [sflag:s12], $0x2000  }
0x124: {  	[sflag:s12] =	ssyncset.done $0x0  }
0x125: {  	s11 =	simm.s32 $0xB;
	[sflag:s12] =	ssyncadd.s32 $0xFFFFE000  }
0x126: {  	_ =	swait.ge [sflag:s11], $0x2000  }
0x127: {  	[sflag:s11] =	ssyncset.done $0x0  }
0x128: {  	[sflag:s11] =	ssyncadd.s32 $0xFFFFE000  }
0x129: {  	_ =	swait.ge [sflag:s9], $0x2000  }
0x12a: {  	[sflag:s9] =	ssyncset.done $0x0  }
0x12b: {  	s7 =	simm.s32 $0xD;
	[sflag:s9] =	ssyncadd.s32 $0xFFFFE000  }
0x12c: {  	_ =	swait.ge [sflag:s7], $0x2000  }
0x12d: {  	[sflag:s7] =	ssyncset.done $0x0  }
0x12e: {  	s6 =	simm.s32 $0xE;
	[sflag:s7] =	ssyncadd.s32 $0xFFFFE000  }
0x12f: {  	_ =	swait.ge [sflag:s6], $0x2000  }
0x130: {  	[sflag:s6] =	ssyncset.done $0x0  }
0x131: {  	p1 =	sne.s32 s0, $0x1;
	[sflag:s6] =	ssyncadd.s32 $0xFFFFE000  }
.Ltmp2:
0x132: {  	_ =	swait.ge [sflag:s5], $0x2000;
	(pc) =	sbr.rel @p1 .LBB2_3-.Ltmp2, $4  }
0x133: {  	[sflag:s5] =	ssyncset.done $0x0  }
0x134: {  	[sflag:s5] =	ssyncadd.s32 $0xFFFFE000  }
0x135: {  	_ =	swait.ge [sflag:s4], $0x2000  }
0x136: {  	s0 =	sadd.s32 $0xFFFFFFFF, s0;
	s30 =	rddreg [dreg:$0x6];
	[sflag:s4] =	ssyncset.done $0x0  }
0x137: {  	s1 =	simm.s32 $0x11  }
.LBB2_5:
0x138: {  	[sflag:s4] =	ssyncadd.s32 @p0 $0xFFFFE000  }
0x139: {  	[tilespmem:s2], [sflag:$0x11] =	stream.linear.gather [hbm4b:s30+s2], $0x400, $0x38;
	[tilespmem:$0x10400] =	vst v63  }
0x13a: {  	_ =	swait.ge [sflag:s1], $0x400  }
0x13b: {  	[sflag:s1] =	ssyncset.done $0x0  }
0x13c: {  	[sflag:s1] =	ssyncadd.s32 $0xFFFFFC00  }
0x13d: {  	[tilespmem:s23], [sflag:$0x1] =	stream.indirect.gather [hbm4b:s25+s20], $0x80, s2, s20, $0xb8;
	[tilespmem:$0x10400] =	vst v63  }
0x13e: {  	s1 =	simm.s32 $0x80  }
0x13f: {  	[tilespmem:s18], [sflag:$0x2] =	stream.indirect.gather [hbm4b:s25+s20], $0x80, s1, s20, $0xb8;
	[tilespmem:$0x10400] =	vst v63  }
0x140: {  	s30 =	simm.s32 $0x100  }
0x141: {  	[tilespmem:s17], [sflag:$0x3] =	stream.indirect.gather [hbm4b:s25+s20], $0x80, s30, s20, $0xb8;
	[tilespmem:$0x10400] =	vst v63  }
0x142: {  	s0 =	simm.s32 $0x180  }
0x143: {  	[tilespmem:s16], [sflag:$0x4] =	stream.indirect.gather [hbm4b:s25+s20], $0x80, s0, s20, $0xb8;
	[tilespmem:$0x10400] =	vst v63  }
0x144: {  	s0 =	simm.s32 $0x200  }
0x145: {  	[tilespmem:s15], [sflag:$0x5] =	stream.indirect.gather [hbm4b:s25+s20], $0x80, s0, s20, $0xb8;
	[tilespmem:$0x10400] =	vst v63  }
0x146: {  	s0 =	simm.s32 $0x280  }
0x147: {  	[tilespmem:s14], [sflag:$0x6] =	stream.indirect.gather [hbm4b:s25+s20], $0x80, s0, s20, $0xb8;
	[tilespmem:$0x10400] =	vst v63  }
0x148: {  	s0 =	simm.s32 $0x300  }
0x149: {  	[tilespmem:s13], [sflag:$0x7] =	stream.indirect.gather [hbm4b:s25+s20], $0x80, s0, s20, $0xb8;
	[tilespmem:$0x10400] =	vst v63  }
0x14a: {  	_ =	swait.ge [sflag:s31], $0x2000  }
0x14b: {  	[sflag:s31] =	ssyncset.done $0x0  }
0x14c: {  	s0 =	rddreg [dreg:$0x7];
	[sflag:s31] =	ssyncadd.s32 $0xFFFFE000  }
0x14d: {  	[hbm4b:s0+s2] =	stream.linear.scatter [tilespmem:s23], [sflag:$0x9], $0x2000, $0x38;
	[tilespmem:$0x10400] =	vst v63  }
0x14e: {  	s0 =	simm.s32 $0x380  }
0x14f: {  	[tilespmem:s10], [sflag:$0x8] =	stream.indirect.gather [hbm4b:s25+s20], $0x80, s0, s20, $0xb8;
	[tilespmem:$0x10400] =	vst v63  }
0x150: {  	_ =	swait.ge [sflag:s28], $0x2000  }
0x151: {  	[sflag:s28] =	ssyncset.done $0x0  }
0x152: {  	s0 =	rddreg [dreg:$0x8];
	[sflag:s28] =	ssyncadd.s32 $0xFFFFE000  }
0x153: {  	[hbm4b:s0+s2] =	stream.linear.scatter [tilespmem:s18], [sflag:$0xA], $0x2000, $0x38;
	[tilespmem:$0x10400] =	vst v63  }
0x154: {  	_ =	swait.ge [sflag:s8], $0x2000  }
0x155: {  	[sflag:s8] =	ssyncset.done $0x0  }
0x156: {  	[sflag:s8] =	ssyncadd.s32 $0xFFFFE000  }
0x157: {  	[tilespmem:s23], [sflag:$0x1] =	stream.indirect.gather [hbm4b:s3+s20], $0x80, s2, s20, $0xb8;
	[tilespmem:$0x10400] =	vst v63  }
0x158: {  	_ =	swait.ge [sflag:s29], $0x2000  }
0x159: {  	[sflag:s29] =	ssyncset.done $0x0  }
0x15a: {  	s0 =	rddreg [dreg:$0x9];
	[sflag:s29] =	ssyncadd.s32 $0xFFFFE000  }
0x15b: {  	[hbm4b:s0+s2] =	stream.linear.scatter [tilespmem:s17], [sflag:$0xB], $0x2000, $0x38;
	[tilespmem:$0x10400] =	vst v63  }
0x15c: {  	_ =	swait.ge [sflag:s12], $0x2000  }
0x15d: {  	[sflag:s12] =	ssyncset.done $0x0  }
0x15e: {  	[sflag:s12] =	ssyncadd.s32 $0xFFFFE000  }
0x15f: {  	[tilespmem:s18], [sflag:$0x2] =	stream.indirect.gather [hbm4b:s3+s20], $0x80, s1, s20, $0xb8;
	[tilespmem:$0x10400] =	vst v63  }
0x160: {  	_ =	swait.ge [sflag:s26], $0x2000  }
0x161: {  	[sflag:s26] =	ssyncset.done $0x0  }
0x162: {  	s1 =	rddreg [dreg:$0xa];
	[sflag:s26] =	ssyncadd.s32 $0xFFFFE000  }
0x163: {  	[hbm4b:s1+s2] =	stream.linear.scatter [tilespmem:s16], [sflag:$0xC], $0x2000, $0x38;
	[tilespmem:$0x10400] =	vst v63  }
0x164: {  	_ =	swait.ge [sflag:s11], $0x2000  }
0x165: {  	[sflag:s11] =	ssyncset.done $0x0  }
0x166: {  	[sflag:s11] =	ssyncadd.s32 $0xFFFFE000  }
0x167: {  	[tilespmem:s17], [sflag:$0x3] =	stream.indirect.gather [hbm4b:s3+s20], $0x80, s30, s20, $0xb8;
	[tilespmem:$0x10400] =	vst v63  }
0x168: {  	_ =	swait.ge [sflag:s24], $0x2000  }
0x169: {  	[sflag:s24] =	ssyncset.done $0x0  }
0x16a: {  	s1 =	rddreg [dreg:$0xb];
	[sflag:s24] =	ssyncadd.s32 $0xFFFFE000  }
0x16b: {  	[hbm4b:s1+s2] =	stream.linear.scatter [tilespmem:s15], [sflag:$0xD], $0x2000, $0x38;
	[tilespmem:$0x10400] =	vst v63  }
0x16c: {  	_ =	swait.ge [sflag:s9], $0x2000  }
0x16d: {  	[sflag:s9] =	ssyncset.done $0x0  }
0x16e: {  	s30 =	simm.s32 $0x180;
	[sflag:s9] =	ssyncadd.s32 $0xFFFFE000  }
0x16f: {  	[tilespmem:s16], [sflag:$0x4] =	stream.indirect.gather [hbm4b:s3+s20], $0x80, s30, s20, $0xb8;
	[tilespmem:$0x10400] =	vst v63  }
0x170: {  	_ =	swait.ge [sflag:s22], $0x2000  }
0x171: {  	[sflag:s22] =	ssyncset.done $0x0  }
0x172: {  	s1 =	rddreg [dreg:$0xc];
	[sflag:s22] =	ssyncadd.s32 $0xFFFFE000  }
0x173: {  	[hbm4b:s1+s2] =	stream.linear.scatter [tilespmem:s14], [sflag:$0xE], $0x2000, $0x38;
	[tilespmem:$0x10400] =	vst v63  }
0x174: {  	_ =	swait.ge [sflag:s7], $0x2000  }
0x175: {  	[sflag:s7] =	ssyncset.done $0x0  }
0x176: {  	s30 =	simm.s32 $0x200;
	[sflag:s7] =	ssyncadd.s32 $0xFFFFE000  }
0x177: {  	[tilespmem:s15], [sflag:$0x5] =	stream.indirect.gather [hbm4b:s3+s20], $0x80, s30, s20, $0xb8;
	[tilespmem:$0x10400] =	vst v63  }
0x178: {  	_ =	swait.ge [sflag:s21], $0x2000  }
0x179: {  	[sflag:s21] =	ssyncset.done $0x0  }
0x17a: {  	s1 =	rddreg [dreg:$0xd];
	[sflag:s21] =	ssyncadd.s32 $0xFFFFE000  }
0x17b: {  	[hbm4b:s1+s2] =	stream.linear.scatter [tilespmem:s13], [sflag:$0xF], $0x2000, $0x38;
	[tilespmem:$0x10400] =	vst v63  }
0x17c: {  	_ =	swait.ge [sflag:s6], $0x2000  }
0x17d: {  	[sflag:s6] =	ssyncset.done $0x0  }
0x17e: {  	s30 =	simm.s32 $0x280;
	[sflag:s6] =	ssyncadd.s32 $0xFFFFE000  }
0x17f: {  	[tilespmem:s14], [sflag:$0x6] =	stream.indirect.gather [hbm4b:s3+s20], $0x80, s30, s20, $0xb8;
	[tilespmem:$0x10400] =	vst v63  }
0x180: {  	_ =	swait.ge [sflag:s19], $0x2000  }
0x181: {  	[sflag:s19] =	ssyncset.done $0x0  }
0x182: {  	s1 =	rddreg [dreg:$0xe];
	[sflag:s19] =	ssyncadd.s32 $0xFFFFE000  }
0x183: {  	[hbm4b:s1+s2] =	stream.linear.scatter [tilespmem:s10], [sflag:$0x10], $0x2000, $0x38;
	[tilespmem:$0x10400] =	vst v63  }
0x184: {  	_ =	swait.ge [sflag:s5], $0x2000  }
0x185: {  	[sflag:s5] =	ssyncset.done $0x0  }
0x186: {  	s30 =	simm.s32 $0x300;
	[sflag:s5] =	ssyncadd.s32 $0xFFFFE000  }
0x187: {  	[tilespmem:s13], [sflag:$0x7] =	stream.indirect.gather [hbm4b:s3+s20], $0x80, s30, s20, $0xb8;
	[tilespmem:$0x10400] =	vst v63  }
0x188: {  	_ =	swait.ge [sflag:s31], $0x2000  }
0x189: {  	[sflag:s31] =	ssyncset.done $0x0  }
0x18a: {  	s1 =	rddreg [dreg:$0xf];
	[sflag:s31] =	ssyncadd.s32 $0xFFFFE000  }
0x18b: {  	[hbm4b:s1+s2] =	stream.linear.scatter [tilespmem:s23], [sflag:$0x9], $0x2000, $0x38;
	[tilespmem:$0x10400] =	vst v63  }
0x18c: {  	_ =	swait.ge [sflag:s4], $0x2000  }
0x18d: {  	[sflag:s4] =	ssyncset.done $0x0  }
0x18e: {  	s25 =	simm.s32 $0x380;
	[sflag:s4] =	ssyncadd.s32 $0xFFFFE000  }
0x18f: {  	[tilespmem:s10], [sflag:$0x8] =	stream.indirect.gather [hbm4b:s3+s20], $0x80, s25, s20, $0xb8;
	[tilespmem:$0x10400] =	vst v63  }
0x190: {  	_ =	swait.ge [sflag:s28], $0x2000  }
0x191: {  	[sflag:s28] =	ssyncset.done $0x0  }
0x192: {  	s20 =	rddreg [dreg:$0x10];
	[sflag:s28] =	ssyncadd.s32 $0xFFFFE000  }
0x193: {  	[hbm4b:s20+s2] =	stream.linear.scatter [tilespmem:s18], [sflag:$0xA], $0x2000, $0x38;
	[tilespmem:$0x10400] =	vst v63  }
0x194: {  	_ =	swait.ge [sflag:s29], $0x2000  }
0x195: {  	[sflag:s29] =	ssyncset.done $0x0  }
0x196: {  	s23 =	rddreg [dreg:$0x11];
	[sflag:s29] =	ssyncadd.s32 $0xFFFFE000  }
0x197: {  	[hbm4b:s23+s2] =	stream.linear.scatter [tilespmem:s17], [sflag:$0xB], $0x2000, $0x38;
	[tilespmem:$0x10400] =	vst v63  }
0x198: {  	_ =	swait.ge [sflag:s26], $0x2000  }
0x199: {  	[sflag:s26] =	ssyncset.done $0x0  }
0x19a: {  	s25 =	rddreg [dreg:$0x12];
	[sflag:s26] =	ssyncadd.s32 $0xFFFFE000  }
0x19b: {  	[hbm4b:s25+s2] =	stream.linear.scatter [tilespmem:s16], [sflag:$0xC], $0x2000, $0x38;
	[tilespmem:$0x10400] =	vst v63  }
0x19c: {  	_ =	swait.ge [sflag:s24], $0x2000  }
0x19d: {  	[sflag:s24] =	ssyncset.done $0x0  }
0x19e: {  	s26 =	rddreg [dreg:$0x13];
	[sflag:s24] =	ssyncadd.s32 $0xFFFFE000  }
0x19f: {  	[hbm4b:s26+s2] =	stream.linear.scatter [tilespmem:s15], [sflag:$0xD], $0x2000, $0x38;
	[tilespmem:$0x10400] =	vst v63  }
0x1a0: {  	_ =	swait.ge [sflag:s22], $0x2000  }
0x1a1: {  	[sflag:s22] =	ssyncset.done $0x0  }
0x1a2: {  	s28 =	rddreg [dreg:$0x14];
	[sflag:s22] =	ssyncadd.s32 $0xFFFFE000  }
0x1a3: {  	[hbm4b:s28+s2] =	stream.linear.scatter [tilespmem:s14], [sflag:$0xE], $0x2000, $0x38;
	[tilespmem:$0x10400] =	vst v63  }
0x1a4: {  	_ =	swait.ge [sflag:s21], $0x2000  }
0x1a5: {  	[sflag:s21] =	ssyncset.done $0x0  }
0x1a6: {  	s29 =	rddreg [dreg:$0x15];
	[sflag:s21] =	ssyncadd.s32 $0xFFFFE000  }
0x1a7: {  	[hbm4b:s29+s2] =	stream.linear.scatter [tilespmem:s13], [sflag:$0xF], $0x2000, $0x38;
	[tilespmem:$0x10400] =	vst v63  }
0x1a8: {  	_ =	swait.ge [sflag:s19], $0x2000  }
0x1a9: {  	[sflag:s19] =	ssyncset.done $0x0  }
0x1aa: {  	s30 =	rddreg [dreg:$0x16];
	[sflag:s19] =	ssyncadd.s32 $0xFFFFE000  }
0x1ab: {  	[hbm4b:s30+s2] =	stream.linear.scatter [tilespmem:s10], [sflag:$0x10], $0x2000, $0x38;
	[tilespmem:$0x10400] =	vst v63  }
0x1ac: {  	_ =	swait.ge [sflag:s8], $0x2000  }
0x1ad: {  	[sflag:s8] =	ssyncset.done $0x0  }
0x1ae: {  	[sflag:s8] =	ssyncadd.s32 $0xFFFFE000  }
0x1af: {  	_ =	swait.ge [sflag:s12], $0x2000  }
0x1b0: {  	[sflag:s12] =	ssyncset.done $0x0  }
0x1b1: {  	[sflag:s12] =	ssyncadd.s32 $0xFFFFE000  }
0x1b2: {  	_ =	swait.ge [sflag:s11], $0x2000  }
0x1b3: {  	[sflag:s11] =	ssyncset.done $0x0  }
0x1b4: {  	[sflag:s11] =	ssyncadd.s32 $0xFFFFE000  }
0x1b5: {  	_ =	swait.ge [sflag:s9], $0x2000  }
0x1b6: {  	[sflag:s9] =	ssyncset.done $0x0  }
0x1b7: {  	[sflag:s9] =	ssyncadd.s32 $0xFFFFE000  }
0x1b8: {  	_ =	swait.ge [sflag:s7], $0x2000  }
0x1b9: {  	[sflag:s7] =	ssyncset.done $0x0  }
0x1ba: {  	[sflag:s7] =	ssyncadd.s32 $0xFFFFE000  }
0x1bb: {  	_ =	swait.ge [sflag:s6], $0x2000  }
0x1bc: {  	[sflag:s6] =	ssyncset.done $0x0  }
0x1bd: {  	[sflag:s6] =	ssyncadd.s32 $0xFFFFE000  }
0x1be: {  	_ =	swait.ge [sflag:s5], $0x2000  }
0x1bf: {  	[sflag:s5] =	ssyncset.done $0x0  }
0x1c0: {  	[sflag:s5] =	ssyncadd.s32 $0xFFFFE000  }
0x1c1: {  	_ =	swait.ge [sflag:s4], $0x2000  }
0x1c2: {  	[sflag:s4] =	ssyncset.done $0x0  }
0x1c3: {  	[sflag:s4] =	ssyncadd.s32 $0xFFFFE000  }
0x1c4: {  	_ =	sfence.sel $0x180000  }
0x1c5: {  	[bflag:$0x0] =	sbarrier.arrive $0xFFFF  }
0x1c6: {  	_ =	strace $0x90000047  }
0x1c7: {  	s31 =	stileid.u32;
	[bflag:$0x2] =	sbarrier.arrive $0xFFFF  }
0x1c8: {  	p0 =	sne.s32 s31, $0x0;
	s0 =	rddreg [dreg:$0x5]  }
0x1c9: {  	s0 =	sadd.s32 @!p0 $0x100000, s0  }
0x1ca: {  	[sflag:s0] =	ssyncadd.tile.s32 @!p0 $0x1;
	_ =	shalt  }
.LBB2_2:
.Ltmp3:
0x1cb: {  	(pc) =	sbr.rel .LBB2_5-.Ltmp3, $2  }
0x1cc: {  	_ =	sdelay $0x2  }
0x1cd: {  	s1 =	simm.s32 $0x11  }
.Lfunc_end2:
_tile_overlayer_lowered:
.L_overlay_start_2:
0x1ce: {  	(tag) =	ssettag $0x2  }
0x1cf: {  	s0 =	rddreg [dreg:$0x0];
	s2 =	stileid.u32  }
0x1d0: {  	s1 =	rddreg [dreg:$0x1];
	p0 =	sne.s32 s2, $0x0  }
0x1d1: {  	s3 =	rddreg [dreg:$0x2];
	[bflag:$0x3] =	sbarrier.arrive $0xFFFF;
	s2 =	simm.s32 @!p0 $0x1C11  }
0x1d2: {  	[timem:s3], [sflag:s2] =	dma.local @!p0 [hbm:s0], s1  }
0x1d3: {  	s0 =	simm.s32 @!p0 $0x11  }
0x1d4: {  	_ =	swait.ge @!p0 [sflag:s0], s1  }
0x1d5: {  	s1 =	ssub.s32 @!p0 $0x0, s1;
	[sflag:s0] =	ssyncset.done @!p0 $0x0  }
0x1d6: {  	[sflag:s0] =	ssyncadd.s32 @!p0 s1  }
0x1d7: {  	[bflag:$0x3] =	sbarrier.arrive $0xFFFF  }
0x1d8: {  	_ =	shalt  }

</sc_bundles>
